<compile_context>
chip_gen: v7x
topology: tpu7x:2x2x1
jax: 0.10.2.dev20260603
libtpu: 0.0.44.dev20260713+nightly
codegen_flags: <defaults>
</compile_context>

<pallas_src>
import functools

import jax
import jax.numpy as jnp
from jax import lax
from jax.experimental import pallas as pl
from jax.experimental.pallas import tpu as pltpu
from jax.experimental.pallas import tpu_sc as plsc

_NUM_CORES = 2
_NUM_SUBCORES = 16
_NUM_WORKERS = _NUM_CORES * _NUM_SUBCORES
_CHUNK = 128
_NBUF = 5


@jax.jit
def _embed_lookup(idx2d, table):
    n_rows, chunk = idx2d.shape
    v, d = table.shape
    b = n_rows * chunk
    chunks_per_w = n_rows // _NUM_WORKERS
    ngroups = chunks_per_w // _NBUF

    mesh = plsc.VectorSubcoreMesh(core_axis_name="c", subcore_axis_name="s")

    @functools.partial(
        pl.kernel,
        out_type=jax.ShapeDtypeStruct((b, d), jnp.float32),
        mesh=mesh,
        scratch_types=[
            pltpu.VMEM((chunks_per_w, chunk), jnp.int32),
            pltpu.VMEM((_NBUF, chunk, d), jnp.float32),
            pltpu.SemaphoreType.DMA((_NBUF,)),
            pltpu.SemaphoreType.DMA((_NBUF,)),
        ],
    )
    def gather_kernel(idx_hbm, table_hbm, out_hbm, idx_v, rows_v, gsem, wsem):
        wid = lax.axis_index("s") * _NUM_CORES + lax.axis_index("c")
        base = wid * chunks_per_w
        pltpu.sync_copy(idx_hbm.at[pl.ds(base, chunks_per_w)], idx_v)

        def issue_gather(j, slot):
            pltpu.async_copy(
                table_hbm.at[idx_v.at[j]], rows_v.at[slot], gsem.at[slot]
            )

        def wait_gather(slot):
            pltpu.make_async_copy(
                table_hbm.at[idx_v.at[0]], rows_v.at[slot], gsem.at[slot]
            ).wait()

        def issue_write(j, slot):
            pltpu.async_copy(
                rows_v.at[slot],
                out_hbm.at[pl.ds((base + j) * chunk, chunk)],
                wsem.at[slot],
            )

        def wait_write(slot):
            pltpu.make_async_copy(
                rows_v.at[slot],
                out_hbm.at[pl.ds(base * chunk, chunk)],
                wsem.at[slot],
            ).wait()

        issue_gather(0, 0)
        issue_gather(1, 1)

        for s in range(_NBUF):
            wait_gather(s)
            issue_write(s, s)
            nxt = s + 2
            if nxt >= _NBUF:
                wait_write(nxt % _NBUF)
            issue_gather(nxt, nxt % _NBUF)

        def body(g, carry):
            for s in range(_NBUF):
                j = g * _NBUF + s
                wait_gather(s)
                issue_write(j, s)
                wait_write((s + 2) % _NBUF)
                issue_gather(j + 2, (s + 2) % _NBUF)
            return carry

        lax.fori_loop(1, ngroups - 1, body, 0)

        last = (ngroups - 1) * _NBUF
        for s in range(_NBUF):
            j = last + s
            wait_gather(s)
            issue_write(j, s)
            if j + 2 < chunks_per_w:
                wait_write((s + 2) % _NBUF)
                issue_gather(j + 2, (s + 2) % _NBUF)
        for s in range(_NBUF):
            wait_write(s)

    return gather_kernel(idx2d, table)


def kernel(X, table):
    b0, s = X.shape
    v, d = table.shape
    b = b0 * s
    idx2d = X.reshape(b // _CHUNK, _CHUNK).astype(jnp.int32)
    out = _embed_lookup(idx2d, table)
    return out.reshape(b0, s, d)

# --- scband reference (transcript-rebuilt; emitter-appended) ---
"""Pipeline reference for scband-embed-model-26422638805238 (READ-ONLY COPY).

The authoritative reference and input builder live on the scoring server;
editing this copy changes nothing except your own understanding.
"""

import jax, jax.numpy as jnp
import numpy as np

NUM_EMBEDDINGS = 100000
EMBEDDING_DIM = 128

def setup_inputs(seed: int = 0) -> dict:
    key = jax.random.key(seed)
    k1, k2 = jax.random.split(key)
    X = jax.random.randint(k1, (4096, 200), 0, NUM_EMBEDDINGS, dtype=jnp.int64 if jax.config.jax_enable_x64 else jnp.int32)
    table = jax.random.normal(k2, (NUM_EMBEDDINGS, EMBEDDING_DIM), dtype=jnp.float32)
    return {"X": X, "table": table}

def reference(X, table):
    # torch.nn.Embedding forward: row gather from the embedding table
    return jnp.take(table, X, axis=0)

if __name__ == "__main__":
    import jax
    _d = setup_inputs()
    print(jax.jit(kernel)(*tuple(_d.values())))

</pallas_src>

<mosaic_0001>
#map = affine_map<(d0, d1) -> (0, 0)>
module attributes {stable_mosaic.version = 14 : i64} {
  func.func @gather_kernel(%arg0: i32, %arg1: i32, %arg2: memref<6400x128xi32, #tpu.memory_space<hbm>>, %arg3: memref<100000x128xf32, #tpu.memory_space<hbm>>, %arg4: memref<819200x128xf32, #tpu.memory_space<hbm>>, %arg5: memref<200x128xi32, #tpu.memory_space<vmem>>, %arg6: memref<5x128x128xf32, #tpu.memory_space<vmem>>, %arg7: memref<5x!tpu.dma_semaphore, #tpu.memory_space<semaphore_mem>>, %arg8: memref<5x!tpu.dma_semaphore, #tpu.memory_space<semaphore_mem>>) attributes {dimension_semantics = [#tpu.dimension_semantics<core_parallel>, #tpu.dimension_semantics<subcore_parallel>], iteration_bounds = array<i64: 2, 16>, scalar_prefetch = 0 : i64, scratch_operands = 4 : i64, tpu.core_type = #tpu.core_type<sc_vector_subcore>, window_params = [{transform_indices = #map}, {transform_indices = #map}, {transform_indices = #map}]} {
    %mul3A = arith.constant 2 : i32
    %mul3A_0 = arith.muli %arg1, %mul3A : i32
    %add3A = arith.addi %mul3A_0, %arg0 : i32
    %mul3A_1 = arith.constant 200 : i32
    %mul3A_2 = arith.muli %add3A, %mul3A_1 : i32
    "tpu.region"() ({
      %run_scoped3A = tpu.sem_alloc : memref<!tpu.dma_semaphore, #tpu.memory_space<semaphore_mem>>
      %dma_start3A_686 = arith.constant 0 : i32
      %dma_start3A_687 = tpu.memref_slice %arg2[%mul3A_2, %dma_start3A_686] : memref<6400x128xi32, #tpu.memory_space<hbm>> -> memref<200x128xi32, #tpu.memory_space<hbm>>
      %dma_start3A_688 = arith.constant 0 : i32
      %dma_start3A_689 = tpu.memref_slice %arg2[%mul3A_2, %dma_start3A_688] : memref<6400x128xi32, #tpu.memory_space<hbm>> -> memref<200x128xi32, #tpu.memory_space<hbm>>
      tpu.enqueue_dma source(%dma_start3A_689 : memref<200x128xi32, #tpu.memory_space<hbm>>) target(%arg5 : memref<200x128xi32, #tpu.memory_space<vmem>>) target_semaphore(%run_scoped3A : memref<!tpu.dma_semaphore, #tpu.memory_space<semaphore_mem>>)
      %dma_wait3A_690 = arith.constant 0 : i32
      %dma_wait3A_691 = tpu.memref_slice %arg2[%mul3A_2, %dma_wait3A_690] : memref<6400x128xi32, #tpu.memory_space<hbm>> -> memref<200x128xi32, #tpu.memory_space<hbm>>
      %dma_wait3A_692 = arith.constant 0 : i32
      %dma_wait3A_693 = tpu.memref_slice %arg2[%mul3A_2, %dma_wait3A_692] : memref<6400x128xi32, #tpu.memory_space<hbm>> -> memref<200x128xi32, #tpu.memory_space<hbm>>
      tpu.wait_dma2 semaphore(%run_scoped3A : memref<!tpu.dma_semaphore, #tpu.memory_space<semaphore_mem>>) src(%dma_wait3A_693 : memref<200x128xi32, #tpu.memory_space<hbm>>) dst(%arg5 : memref<200x128xi32, #tpu.memory_space<vmem>>)
      tpu.yield
    }) : () -> ()
    %dma_start3A = arith.constant 0 : i32
    %dma_start3A_3 = arith.constant 0 : i32
    %dma_start3A_4 = arith.constant 0 : i32
    %dma_start3A_5 = arith.constant 0 : i32
    %dma_start3A_6 = arith.constant 0 : i32
    %dma_start3A_7 = tpu.memref_slice %arg6[%dma_start3A_3, %dma_start3A_5, %dma_start3A_6] : memref<5x128x128xf32, #tpu.memory_space<vmem>> -> memref<1x128x128xf32, #tpu.memory_space<vmem>>
    %dma_start3A_8 = tpu.memref_squeeze %dma_start3A_7 : memref<1x128x128xf32, #tpu.memory_space<vmem>> -> memref<128x128xf32, #tpu.memory_space<vmem>>
    %dma_start3A_9 = arith.constant 0 : i32
    %dma_start3A_10 = tpu.memref_slice %arg5[%dma_start3A, %dma_start3A_9] : memref<200x128xi32, #tpu.memory_space<vmem>> -> memref<1x128xi32, #tpu.memory_space<vmem>>
    %dma_start3A_11 = tpu.memref_squeeze %dma_start3A_10 : memref<1x128xi32, #tpu.memory_space<vmem>> -> memref<128xi32, #tpu.memory_space<vmem>>
    %dma_start3A_12 = arith.constant 0 : i32
    %dma_start3A_13 = arith.constant 0 : i32
    %dma_start3A_14 = tpu.memref_slice %arg3[%dma_start3A_12, %dma_start3A_13] : memref<100000x128xf32, #tpu.memory_space<hbm>> -> memref<100000x128xf32, #tpu.memory_space<hbm>>
    %dma_start3A_15 = tpu.memref_slice %arg7[%dma_start3A_4] : memref<5x!tpu.dma_semaphore, #tpu.memory_space<semaphore_mem>> -> memref<1x!tpu.dma_semaphore, #tpu.memory_space<semaphore_mem>>
    %dma_start3A_16 = tpu.memref_squeeze %dma_start3A_15 : memref<1x!tpu.dma_semaphore, #tpu.memory_space<semaphore_mem>> -> memref<!tpu.dma_semaphore, #tpu.memory_space<semaphore_mem>>
    tpu.enqueue_indirect_dma source(%dma_start3A_14 : memref<100000x128xf32, #tpu.memory_space<hbm>>) target(%dma_start3A_8 : memref<128x128xf32, #tpu.memory_space<vmem>>) offsets(%dma_start3A_11 : memref<128xi32, #tpu.memory_space<vmem>>) semaphore(%dma_start3A_16 : memref<!tpu.dma_semaphore, #tpu.memory_space<semaphore_mem>>)
    %dma_start3A_17 = arith.constant 1 : i32
    %dma_start3A_18 = arith.constant 1 : i32
    %dma_start3A_19 = arith.constant 1 : i32
    %dma_start3A_20 = arith.constant 0 : i32
    %dma_start3A_21 = arith.constant 0 : i32
    %dma_start3A_22 = tpu.memref_slice %arg6[%dma_start3A_18, %dma_start3A_20, %dma_start3A_21] : memref<5x128x128xf32, #tpu.memory_space<vmem>> -> memref<1x128x128xf32, #tpu.memory_space<vmem>>
    %dma_start3A_23 = tpu.memref_squeeze %dma_start3A_22 : memref<1x128x128xf32, #tpu.memory_space<vmem>> -> memref<128x128xf32, #tpu.memory_space<vmem>>
    %dma_start3A_24 = arith.constant 0 : i32
    %dma_start3A_25 = tpu.memref_slice %arg5[%dma_start3A_17, %dma_start3A_24] : memref<200x128xi32, #tpu.memory_space<vmem>> -> memref<1x128xi32, #tpu.memory_space<vmem>>
    %dma_start3A_26 = tpu.memref_squeeze %dma_start3A_25 : memref<1x128xi32, #tpu.memory_space<vmem>> -> memref<128xi32, #tpu.memory_space<vmem>>
    %dma_start3A_27 = arith.constant 0 : i32
    %dma_start3A_28 = arith.constant 0 : i32
    %dma_start3A_29 = tpu.memref_slice %arg3[%dma_start3A_27, %dma_start3A_28] : memref<100000x128xf32, #tpu.memory_space<hbm>> -> memref<100000x128xf32, #tpu.memory_space<hbm>>
    %dma_start3A_30 = tpu.memref_slice %arg7[%dma_start3A_19] : memref<5x!tpu.dma_semaphore, #tpu.memory_space<semaphore_mem>> -> memref<1x!tpu.dma_semaphore, #tpu.memory_space<semaphore_mem>>
    %dma_start3A_31 = tpu.memref_squeeze %dma_start3A_30 : memref<1x!tpu.dma_semaphore, #tpu.memory_space<semaphore_mem>> -> memref<!tpu.dma_semaphore, #tpu.memory_space<semaphore_mem>>
    tpu.enqueue_indirect_dma source(%dma_start3A_29 : memref<100000x128xf32, #tpu.memory_space<hbm>>) target(%dma_start3A_23 : memref<128x128xf32, #tpu.memory_space<vmem>>) offsets(%dma_start3A_26 : memref<128xi32, #tpu.memory_space<vmem>>) semaphore(%dma_start3A_31 : memref<!tpu.dma_semaphore, #tpu.memory_space<semaphore_mem>>)
    %dma_wait3A = arith.constant 0 : i32
    %dma_wait3A_32 = arith.constant 0 : i32
    %dma_wait3A_33 = arith.constant 0 : i32
    %dma_wait3A_34 = arith.constant 0 : i32
    %dma_wait3A_35 = arith.constant 0 : i32
    %dma_wait3A_36 = tpu.memref_slice %arg6[%dma_wait3A_32, %dma_wait3A_34, %dma_wait3A_35] : memref<5x128x128xf32, #tpu.memory_space<vmem>> -> memref<1x128x128xf32, #tpu.memory_space<vmem>>
    %dma_wait3A_37 = tpu.memref_squeeze %dma_wait3A_36 : memref<1x128x128xf32, #tpu.memory_space<vmem>> -> memref<128x128xf32, #tpu.memory_space<vmem>>
    %dma_wait3A_38 = arith.constant 0 : i32
    %dma_wait3A_39 = tpu.memref_slice %arg5[%dma_wait3A, %dma_wait3A_38] : memref<200x128xi32, #tpu.memory_space<vmem>> -> memref<1x128xi32, #tpu.memory_space<vmem>>
    %dma_wait3A_40 = tpu.memref_squeeze %dma_wait3A_39 : memref<1x128xi32, #tpu.memory_space<vmem>> -> memref<128xi32, #tpu.memory_space<vmem>>
    %dma_wait3A_41 = arith.constant 0 : i32
    %dma_wait3A_42 = arith.constant 0 : i32
    %dma_wait3A_43 = tpu.memref_slice %arg3[%dma_wait3A_41, %dma_wait3A_42] : memref<100000x128xf32, #tpu.memory_space<hbm>> -> memref<100000x128xf32, #tpu.memory_space<hbm>>
    %dma_wait3A_44 = tpu.memref_slice %arg7[%dma_wait3A_33] : memref<5x!tpu.dma_semaphore, #tpu.memory_space<semaphore_mem>> -> memref<1x!tpu.dma_semaphore, #tpu.memory_space<semaphore_mem>>
    %dma_wait3A_45 = tpu.memref_squeeze %dma_wait3A_44 : memref<1x!tpu.dma_semaphore, #tpu.memory_space<semaphore_mem>> -> memref<!tpu.dma_semaphore, #tpu.memory_space<semaphore_mem>>
    tpu.wait_indirect_dma semaphore(%dma_wait3A_45 : memref<!tpu.dma_semaphore, #tpu.memory_space<semaphore_mem>>) src(%dma_wait3A_43 : memref<100000x128xf32, #tpu.memory_space<hbm>>) dst(%dma_wait3A_37 : memref<128x128xf32, #tpu.memory_space<vmem>>)
    %add3A_46 = arith.constant 0 : i32
    %add3A_47 = arith.addi %mul3A_2, %add3A_46 : i32
    %mul3A_48 = arith.constant 128 : i32
    %mul3A_49 = arith.muli %add3A_47, %mul3A_48 : i32
    %dma_start3A_50 = arith.constant 0 : i32
    %dma_start3A_51 = arith.constant 0 : i32
    %dma_start3A_52 = arith.constant 0 : i32
    %dma_start3A_53 = arith.constant 0 : i32
    %dma_start3A_54 = tpu.memref_slice %arg6[%dma_start3A_50, %dma_start3A_52, %dma_start3A_53] : memref<5x128x128xf32, #tpu.memory_space<vmem>> -> memref<1x128x128xf32, #tpu.memory_space<vmem>>
    %dma_start3A_55 = tpu.memref_squeeze %dma_start3A_54 : memref<1x128x128xf32, #tpu.memory_space<vmem>> -> memref<128x128xf32, #tpu.memory_space<vmem>>
    %dma_start3A_56 = arith.constant 0 : i32
    %dma_start3A_57 = tpu.memref_slice %arg4[%mul3A_49, %dma_start3A_56] : memref<819200x128xf32, #tpu.memory_space<hbm>> -> memref<128x128xf32, #tpu.memory_space<hbm>>
    %dma_start3A_58 = tpu.memref_slice %arg8[%dma_start3A_51] : memref<5x!tpu.dma_semaphore, #tpu.memory_space<semaphore_mem>> -> memref<1x!tpu.dma_semaphore, #tpu.memory_space<semaphore_mem>>
    %dma_start3A_59 = tpu.memref_squeeze %dma_start3A_58 : memref<1x!tpu.dma_semaphore, #tpu.memory_space<semaphore_mem>> -> memref<!tpu.dma_semaphore, #tpu.memory_space<semaphore_mem>>
    %dma_start3A_60 = arith.constant 0 : i32
    %dma_start3A_61 = tpu.memref_slice %arg4[%mul3A_49, %dma_start3A_60] : memref<819200x128xf32, #tpu.memory_space<hbm>> -> memref<128x128xf32, #tpu.memory_space<hbm>>
    %dma_start3A_62 = arith.constant 0 : i32
    %dma_start3A_63 = arith.constant 0 : i32
    %dma_start3A_64 = tpu.memref_slice %arg6[%dma_start3A_50, %dma_start3A_62, %dma_start3A_63] : memref<5x128x128xf32, #tpu.memory_space<vmem>> -> memref<1x128x128xf32, #tpu.memory_space<vmem>>
    %dma_start3A_65 = tpu.memref_squeeze %dma_start3A_64 : memref<1x128x128xf32, #tpu.memory_space<vmem>> -> memref<128x128xf32, #tpu.memory_space<vmem>>
    tpu.enqueue_dma source(%dma_start3A_65 : memref<128x128xf32, #tpu.memory_space<vmem>>) target(%dma_start3A_61 : memref<128x128xf32, #tpu.memory_space<hbm>>) target_semaphore(%dma_start3A_59 : memref<!tpu.dma_semaphore, #tpu.memory_space<semaphore_mem>>)
    %dma_start3A_66 = arith.constant 2 : i32
    %dma_start3A_67 = arith.constant 2 : i32
    %dma_start3A_68 = arith.constant 2 : i32
    %dma_start3A_69 = arith.constant 0 : i32
    %dma_start3A_70 = arith.constant 0 : i32
    %dma_start3A_71 = tpu.memref_slice %arg6[%dma_start3A_67, %dma_start3A_69, %dma_start3A_70] : memref<5x128x128xf32, #tpu.memory_space<vmem>> -> memref<1x128x128xf32, #tpu.memory_space<vmem>>
    %dma_start3A_72 = tpu.memref_squeeze %dma_start3A_71 : memref<1x128x128xf32, #tpu.memory_space<vmem>> -> memref<128x128xf32, #tpu.memory_space<vmem>>
    %dma_start3A_73 = arith.constant 0 : i32
    %dma_start3A_74 = tpu.memref_slice %arg5[%dma_start3A_66, %dma_start3A_73] : memref<200x128xi32, #tpu.memory_space<vmem>> -> memref<1x128xi32, #tpu.memory_space<vmem>>
    %dma_start3A_75 = tpu.memref_squeeze %dma_start3A_74 : memref<1x128xi32, #tpu.memory_space<vmem>> -> memref<128xi32, #tpu.memory_space<vmem>>
    %dma_start3A_76 = arith.constant 0 : i32
    %dma_start3A_77 = arith.constant 0 : i32
    %dma_start3A_78 = tpu.memref_slice %arg3[%dma_start3A_76, %dma_start3A_77] : memref<100000x128xf32, #tpu.memory_space<hbm>> -> memref<100000x128xf32, #tpu.memory_space<hbm>>
    %dma_start3A_79 = tpu.memref_slice %arg7[%dma_start3A_68] : memref<5x!tpu.dma_semaphore, #tpu.memory_space<semaphore_mem>> -> memref<1x!tpu.dma_semaphore, #tpu.memory_space<semaphore_mem>>
    %dma_start3A_80 = tpu.memref_squeeze %dma_start3A_79 : memref<1x!tpu.dma_semaphore, #tpu.memory_space<semaphore_mem>> -> memref<!tpu.dma_semaphore, #tpu.memory_space<semaphore_mem>>
    tpu.enqueue_indirect_dma source(%dma_start3A_78 : memref<100000x128xf32, #tpu.memory_space<hbm>>) target(%dma_start3A_72 : memref<128x128xf32, #tpu.memory_space<vmem>>) offsets(%dma_start3A_75 : memref<128xi32, #tpu.memory_space<vmem>>) semaphore(%dma_start3A_80 : memref<!tpu.dma_semaphore, #tpu.memory_space<semaphore_mem>>)
    %dma_wait3A_81 = arith.constant 0 : i32
    %dma_wait3A_82 = arith.constant 1 : i32
    %dma_wait3A_83 = arith.constant 1 : i32
    %dma_wait3A_84 = arith.constant 0 : i32
    %dma_wait3A_85 = arith.constant 0 : i32
    %dma_wait3A_86 = tpu.memref_slice %arg6[%dma_wait3A_82, %dma_wait3A_84, %dma_wait3A_85] : memref<5x128x128xf32, #tpu.memory_space<vmem>> -> memref<1x128x128xf32, #tpu.memory_space<vmem>>
    %dma_wait3A_87 = tpu.memref_squeeze %dma_wait3A_86 : memref<1x128x128xf32, #tpu.memory_space<vmem>> -> memref<128x128xf32, #tpu.memory_space<vmem>>
    %dma_wait3A_88 = arith.constant 0 : i32
    %dma_wait3A_89 = tpu.memref_slice %arg5[%dma_wait3A_81, %dma_wait3A_88] : memref<200x128xi32, #tpu.memory_space<vmem>> -> memref<1x128xi32, #tpu.memory_space<vmem>>
    %dma_wait3A_90 = tpu.memref_squeeze %dma_wait3A_89 : memref<1x128xi32, #tpu.memory_space<vmem>> -> memref<128xi32, #tpu.memory_space<vmem>>
    %dma_wait3A_91 = arith.constant 0 : i32
    %dma_wait3A_92 = arith.constant 0 : i32
    %dma_wait3A_93 = tpu.memref_slice %arg3[%dma_wait3A_91, %dma_wait3A_92] : memref<100000x128xf32, #tpu.memory_space<hbm>> -> memref<100000x128xf32, #tpu.memory_space<hbm>>
    %dma_wait3A_94 = tpu.memref_slice %arg7[%dma_wait3A_83] : memref<5x!tpu.dma_semaphore, #tpu.memory_space<semaphore_mem>> -> memref<1x!tpu.dma_semaphore, #tpu.memory_space<semaphore_mem>>
    %dma_wait3A_95 = tpu.memref_squeeze %dma_wait3A_94 : memref<1x!tpu.dma_semaphore, #tpu.memory_space<semaphore_mem>> -> memref<!tpu.dma_semaphore, #tpu.memory_space<semaphore_mem>>
    tpu.wait_indirect_dma semaphore(%dma_wait3A_95 : memref<!tpu.dma_semaphore, #tpu.memory_space<semaphore_mem>>) src(%dma_wait3A_93 : memref<100000x128xf32, #tpu.memory_space<hbm>>) dst(%dma_wait3A_87 : memref<128x128xf32, #tpu.memory_space<vmem>>)
    %add3A_96 = arith.constant 1 : i32
    %add3A_97 = arith.addi %mul3A_2, %add3A_96 : i32
    %mul3A_98 = arith.constant 128 : i32
    %mul3A_99 = arith.muli %add3A_97, %mul3A_98 : i32
    %dma_start3A_100 = arith.constant 1 : i32
    %dma_start3A_101 = arith.constant 1 : i32
    %dma_start3A_102 = arith.constant 0 : i32
    %dma_start3A_103 = arith.constant 0 : i32
    %dma_start3A_104 = tpu.memref_slice %arg6[%dma_start3A_100, %dma_start3A_102, %dma_start3A_103] : memref<5x128x128xf32, #tpu.memory_space<vmem>> -> memref<1x128x128xf32, #tpu.memory_space<vmem>>
    %dma_start3A_105 = tpu.memref_squeeze %dma_start3A_104 : memref<1x128x128xf32, #tpu.memory_space<vmem>> -> memref<128x128xf32, #tpu.memory_space<vmem>>
    %dma_start3A_106 = arith.constant 0 : i32
    %dma_start3A_107 = tpu.memref_slice %arg4[%mul3A_99, %dma_start3A_106] : memref<819200x128xf32, #tpu.memory_space<hbm>> -> memref<128x128xf32, #tpu.memory_space<hbm>>
    %dma_start3A_108 = tpu.memref_slice %arg8[%dma_start3A_101] : memref<5x!tpu.dma_semaphore, #tpu.memory_space<semaphore_mem>> -> memref<1x!tpu.dma_semaphore, #tpu.memory_space<semaphore_mem>>
    %dma_start3A_109 = tpu.memref_squeeze %dma_start3A_108 : memref<1x!tpu.dma_semaphore, #tpu.memory_space<semaphore_mem>> -> memref<!tpu.dma_semaphore, #tpu.memory_space<semaphore_mem>>
    %dma_start3A_110 = arith.constant 0 : i32
    %dma_start3A_111 = tpu.memref_slice %arg4[%mul3A_99, %dma_start3A_110] : memref<819200x128xf32, #tpu.memory_space<hbm>> -> memref<128x128xf32, #tpu.memory_space<hbm>>
    %dma_start3A_112 = arith.constant 0 : i32
    %dma_start3A_113 = arith.constant 0 : i32
    %dma_start3A_114 = tpu.memref_slice %arg6[%dma_start3A_100, %dma_start3A_112, %dma_start3A_113] : memref<5x128x128xf32, #tpu.memory_space<vmem>> -> memref<1x128x128xf32, #tpu.memory_space<vmem>>
    %dma_start3A_115 = tpu.memref_squeeze %dma_start3A_114 : memref<1x128x128xf32, #tpu.memory_space<vmem>> -> memref<128x128xf32, #tpu.memory_space<vmem>>
    tpu.enqueue_dma source(%dma_start3A_115 : memref<128x128xf32, #tpu.memory_space<vmem>>) target(%dma_start3A_111 : memref<128x128xf32, #tpu.memory_space<hbm>>) target_semaphore(%dma_start3A_109 : memref<!tpu.dma_semaphore, #tpu.memory_space<semaphore_mem>>)
    %dma_start3A_116 = arith.constant 3 : i32
    %dma_start3A_117 = arith.constant 3 : i32
    %dma_start3A_118 = arith.constant 3 : i32
    %dma_start3A_119 = arith.constant 0 : i32
    %dma_start3A_120 = arith.constant 0 : i32
    %dma_start3A_121 = tpu.memref_slice %arg6[%dma_start3A_117, %dma_start3A_119, %dma_start3A_120] : memref<5x128x128xf32, #tpu.memory_space<vmem>> -> memref<1x128x128xf32, #tpu.memory_space<vmem>>
    %dma_start3A_122 = tpu.memref_squeeze %dma_start3A_121 : memref<1x128x128xf32, #tpu.memory_space<vmem>> -> memref<128x128xf32, #tpu.memory_space<vmem>>
    %dma_start3A_123 = arith.constant 0 : i32
    %dma_start3A_124 = tpu.memref_slice %arg5[%dma_start3A_116, %dma_start3A_123] : memref<200x128xi32, #tpu.memory_space<vmem>> -> memref<1x128xi32, #tpu.memory_space<vmem>>
    %dma_start3A_125 = tpu.memref_squeeze %dma_start3A_124 : memref<1x128xi32, #tpu.memory_space<vmem>> -> memref<128xi32, #tpu.memory_space<vmem>>
    %dma_start3A_126 = arith.constant 0 : i32
    %dma_start3A_127 = arith.constant 0 : i32
    %dma_start3A_128 = tpu.memref_slice %arg3[%dma_start3A_126, %dma_start3A_127] : memref<100000x128xf32, #tpu.memory_space<hbm>> -> memref<100000x128xf32, #tpu.memory_space<hbm>>
    %dma_start3A_129 = tpu.memref_slice %arg7[%dma_start3A_118] : memref<5x!tpu.dma_semaphore, #tpu.memory_space<semaphore_mem>> -> memref<1x!tpu.dma_semaphore, #tpu.memory_space<semaphore_mem>>
    %dma_start3A_130 = tpu.memref_squeeze %dma_start3A_129 : memref<1x!tpu.dma_semaphore, #tpu.memory_space<semaphore_mem>> -> memref<!tpu.dma_semaphore, #tpu.memory_space<semaphore_mem>>
    tpu.enqueue_indirect_dma source(%dma_start3A_128 : memref<100000x128xf32, #tpu.memory_space<hbm>>) target(%dma_start3A_122 : memref<128x128xf32, #tpu.memory_space<vmem>>) offsets(%dma_start3A_125 : memref<128xi32, #tpu.memory_space<vmem>>) semaphore(%dma_start3A_130 : memref<!tpu.dma_semaphore, #tpu.memory_space<semaphore_mem>>)
    %dma_wait3A_131 = arith.constant 0 : i32
    %dma_wait3A_132 = arith.constant 2 : i32
    %dma_wait3A_133 = arith.constant 2 : i32
    %dma_wait3A_134 = arith.constant 0 : i32
    %dma_wait3A_135 = arith.constant 0 : i32
    %dma_wait3A_136 = tpu.memref_slice %arg6[%dma_wait3A_132, %dma_wait3A_134, %dma_wait3A_135] : memref<5x128x128xf32, #tpu.memory_space<vmem>> -> memref<1x128x128xf32, #tpu.memory_space<vmem>>
    %dma_wait3A_137 = tpu.memref_squeeze %dma_wait3A_136 : memref<1x128x128xf32, #tpu.memory_space<vmem>> -> memref<128x128xf32, #tpu.memory_space<vmem>>
    %dma_wait3A_138 = arith.constant 0 : i32
    %dma_wait3A_139 = tpu.memref_slice %arg5[%dma_wait3A_131, %dma_wait3A_138] : memref<200x128xi32, #tpu.memory_space<vmem>> -> memref<1x128xi32, #tpu.memory_space<vmem>>
    %dma_wait3A_140 = tpu.memref_squeeze %dma_wait3A_139 : memref<1x128xi32, #tpu.memory_space<vmem>> -> memref<128xi32, #tpu.memory_space<vmem>>
    %dma_wait3A_141 = arith.constant 0 : i32
    %dma_wait3A_142 = arith.constant 0 : i32
    %dma_wait3A_143 = tpu.memref_slice %arg3[%dma_wait3A_141, %dma_wait3A_142] : memref<100000x128xf32, #tpu.memory_space<hbm>> -> memref<100000x128xf32, #tpu.memory_space<hbm>>
    %dma_wait3A_144 = tpu.memref_slice %arg7[%dma_wait3A_133] : memref<5x!tpu.dma_semaphore, #tpu.memory_space<semaphore_mem>> -> memref<1x!tpu.dma_semaphore, #tpu.memory_space<semaphore_mem>>
    %dma_wait3A_145 = tpu.memref_squeeze %dma_wait3A_144 : memref<1x!tpu.dma_semaphore, #tpu.memory_space<semaphore_mem>> -> memref<!tpu.dma_semaphore, #tpu.memory_space<semaphore_mem>>
    tpu.wait_indirect_dma semaphore(%dma_wait3A_145 : memref<!tpu.dma_semaphore, #tpu.memory_space<semaphore_mem>>) src(%dma_wait3A_143 : memref<100000x128xf32, #tpu.memory_space<hbm>>) dst(%dma_wait3A_137 : memref<128x128xf32, #tpu.memory_space<vmem>>)
    %add3A_146 = arith.constant 2 : i32
    %add3A_147 = arith.addi %mul3A_2, %add3A_146 : i32
    %mul3A_148 = arith.constant 128 : i32
    %mul3A_149 = arith.muli %add3A_147, %mul3A_148 : i32
    %dma_start3A_150 = arith.constant 2 : i32
    %dma_start3A_151 = arith.constant 2 : i32
    %dma_start3A_152 = arith.constant 0 : i32
    %dma_start3A_153 = arith.constant 0 : i32
    %dma_start3A_154 = tpu.memref_slice %arg6[%dma_start3A_150, %dma_start3A_152, %dma_start3A_153] : memref<5x128x128xf32, #tpu.memory_space<vmem>> -> memref<1x128x128xf32, #tpu.memory_space<vmem>>
    %dma_start3A_155 = tpu.memref_squeeze %dma_start3A_154 : memref<1x128x128xf32, #tpu.memory_space<vmem>> -> memref<128x128xf32, #tpu.memory_space<vmem>>
    %dma_start3A_156 = arith.constant 0 : i32
    %dma_start3A_157 = tpu.memref_slice %arg4[%mul3A_149, %dma_start3A_156] : memref<819200x128xf32, #tpu.memory_space<hbm>> -> memref<128x128xf32, #tpu.memory_space<hbm>>
    %dma_start3A_158 = tpu.memref_slice %arg8[%dma_start3A_151] : memref<5x!tpu.dma_semaphore, #tpu.memory_space<semaphore_mem>> -> memref<1x!tpu.dma_semaphore, #tpu.memory_space<semaphore_mem>>
    %dma_start3A_159 = tpu.memref_squeeze %dma_start3A_158 : memref<1x!tpu.dma_semaphore, #tpu.memory_space<semaphore_mem>> -> memref<!tpu.dma_semaphore, #tpu.memory_space<semaphore_mem>>
    %dma_start3A_160 = arith.constant 0 : i32
    %dma_start3A_161 = tpu.memref_slice %arg4[%mul3A_149, %dma_start3A_160] : memref<819200x128xf32, #tpu.memory_space<hbm>> -> memref<128x128xf32, #tpu.memory_space<hbm>>
    %dma_start3A_162 = arith.constant 0 : i32
    %dma_start3A_163 = arith.constant 0 : i32
    %dma_start3A_164 = tpu.memref_slice %arg6[%dma_start3A_150, %dma_start3A_162, %dma_start3A_163] : memref<5x128x128xf32, #tpu.memory_space<vmem>> -> memref<1x128x128xf32, #tpu.memory_space<vmem>>
    %dma_start3A_165 = tpu.memref_squeeze %dma_start3A_164 : memref<1x128x128xf32, #tpu.memory_space<vmem>> -> memref<128x128xf32, #tpu.memory_space<vmem>>
    tpu.enqueue_dma source(%dma_start3A_165 : memref<128x128xf32, #tpu.memory_space<vmem>>) target(%dma_start3A_161 : memref<128x128xf32, #tpu.memory_space<hbm>>) target_semaphore(%dma_start3A_159 : memref<!tpu.dma_semaphore, #tpu.memory_space<semaphore_mem>>)
    %dma_start3A_166 = arith.constant 4 : i32
    %dma_start3A_167 = arith.constant 4 : i32
    %dma_start3A_168 = arith.constant 4 : i32
    %dma_start3A_169 = arith.constant 0 : i32
    %dma_start3A_170 = arith.constant 0 : i32
    %dma_start3A_171 = tpu.memref_slice %arg6[%dma_start3A_167, %dma_start3A_169, %dma_start3A_170] : memref<5x128x128xf32, #tpu.memory_space<vmem>> -> memref<1x128x128xf32, #tpu.memory_space<vmem>>
    %dma_start3A_172 = tpu.memref_squeeze %dma_start3A_171 : memref<1x128x128xf32, #tpu.memory_space<vmem>> -> memref<128x128xf32, #tpu.memory_space<vmem>>
    %dma_start3A_173 = arith.constant 0 : i32
    %dma_start3A_174 = tpu.memref_slice %arg5[%dma_start3A_166, %dma_start3A_173] : memref<200x128xi32, #tpu.memory_space<vmem>> -> memref<1x128xi32, #tpu.memory_space<vmem>>
    %dma_start3A_175 = tpu.memref_squeeze %dma_start3A_174 : memref<1x128xi32, #tpu.memory_space<vmem>> -> memref<128xi32, #tpu.memory_space<vmem>>
    %dma_start3A_176 = arith.constant 0 : i32
    %dma_start3A_177 = arith.constant 0 : i32
    %dma_start3A_178 = tpu.memref_slice %arg3[%dma_start3A_176, %dma_start3A_177] : memref<100000x128xf32, #tpu.memory_space<hbm>> -> memref<100000x128xf32, #tpu.memory_space<hbm>>
    %dma_start3A_179 = tpu.memref_slice %arg7[%dma_start3A_168] : memref<5x!tpu.dma_semaphore, #tpu.memory_space<semaphore_mem>> -> memref<1x!tpu.dma_semaphore, #tpu.memory_space<semaphore_mem>>
    %dma_start3A_180 = tpu.memref_squeeze %dma_start3A_179 : memref<1x!tpu.dma_semaphore, #tpu.memory_space<semaphore_mem>> -> memref<!tpu.dma_semaphore, #tpu.memory_space<semaphore_mem>>
    tpu.enqueue_indirect_dma source(%dma_start3A_178 : memref<100000x128xf32, #tpu.memory_space<hbm>>) target(%dma_start3A_172 : memref<128x128xf32, #tpu.memory_space<vmem>>) offsets(%dma_start3A_175 : memref<128xi32, #tpu.memory_space<vmem>>) semaphore(%dma_start3A_180 : memref<!tpu.dma_semaphore, #tpu.memory_space<semaphore_mem>>)
    %dma_wait3A_181 = arith.constant 0 : i32
    %dma_wait3A_182 = arith.constant 3 : i32
    %dma_wait3A_183 = arith.constant 3 : i32
    %dma_wait3A_184 = arith.constant 0 : i32
    %dma_wait3A_185 = arith.constant 0 : i32
    %dma_wait3A_186 = tpu.memref_slice %arg6[%dma_wait3A_182, %dma_wait3A_184, %dma_wait3A_185] : memref<5x128x128xf32, #tpu.memory_space<vmem>> -> memref<1x128x128xf32, #tpu.memory_space<vmem>>
    %dma_wait3A_187 = tpu.memref_squeeze %dma_wait3A_186 : memref<1x128x128xf32, #tpu.memory_space<vmem>> -> memref<128x128xf32, #tpu.memory_space<vmem>>
    %dma_wait3A_188 = arith.constant 0 : i32
    %dma_wait3A_189 = tpu.memref_slice %arg5[%dma_wait3A_181, %dma_wait3A_188] : memref<200x128xi32, #tpu.memory_space<vmem>> -> memref<1x128xi32, #tpu.memory_space<vmem>>
    %dma_wait3A_190 = tpu.memref_squeeze %dma_wait3A_189 : memref<1x128xi32, #tpu.memory_space<vmem>> -> memref<128xi32, #tpu.memory_space<vmem>>
    %dma_wait3A_191 = arith.constant 0 : i32
    %dma_wait3A_192 = arith.constant 0 : i32
    %dma_wait3A_193 = tpu.memref_slice %arg3[%dma_wait3A_191, %dma_wait3A_192] : memref<100000x128xf32, #tpu.memory_space<hbm>> -> memref<100000x128xf32, #tpu.memory_space<hbm>>
    %dma_wait3A_194 = tpu.memref_slice %arg7[%dma_wait3A_183] : memref<5x!tpu.dma_semaphore, #tpu.memory_space<semaphore_mem>> -> memref<1x!tpu.dma_semaphore, #tpu.memory_space<semaphore_mem>>
    %dma_wait3A_195 = tpu.memref_squeeze %dma_wait3A_194 : memref<1x!tpu.dma_semaphore, #tpu.memory_space<semaphore_mem>> -> memref<!tpu.dma_semaphore, #tpu.memory_space<semaphore_mem>>
    tpu.wait_indirect_dma semaphore(%dma_wait3A_195 : memref<!tpu.dma_semaphore, #tpu.memory_space<semaphore_mem>>) src(%dma_wait3A_193 : memref<100000x128xf32, #tpu.memory_space<hbm>>) dst(%dma_wait3A_187 : memref<128x128xf32, #tpu.memory_space<vmem>>)
    %add3A_196 = arith.constant 3 : i32
    %add3A_197 = arith.addi %mul3A_2, %add3A_196 : i32
    %mul3A_198 = arith.constant 128 : i32
    %mul3A_199 = arith.muli %add3A_197, %mul3A_198 : i32
    %dma_start3A_200 = arith.constant 3 : i32
    %dma_start3A_201 = arith.constant 3 : i32
    %dma_start3A_202 = arith.constant 0 : i32
    %dma_start3A_203 = arith.constant 0 : i32
    %dma_start3A_204 = tpu.memref_slice %arg6[%dma_start3A_200, %dma_start3A_202, %dma_start3A_203] : memref<5x128x128xf32, #tpu.memory_space<vmem>> -> memref<1x128x128xf32, #tpu.memory_space<vmem>>
    %dma_start3A_205 = tpu.memref_squeeze %dma_start3A_204 : memref<1x128x128xf32, #tpu.memory_space<vmem>> -> memref<128x128xf32, #tpu.memory_space<vmem>>
    %dma_start3A_206 = arith.constant 0 : i32
    %dma_start3A_207 = tpu.memref_slice %arg4[%mul3A_199, %dma_start3A_206] : memref<819200x128xf32, #tpu.memory_space<hbm>> -> memref<128x128xf32, #tpu.memory_space<hbm>>
    %dma_start3A_208 = tpu.memref_slice %arg8[%dma_start3A_201] : memref<5x!tpu.dma_semaphore, #tpu.memory_space<semaphore_mem>> -> memref<1x!tpu.dma_semaphore, #tpu.memory_space<semaphore_mem>>
    %dma_start3A_209 = tpu.memref_squeeze %dma_start3A_208 : memref<1x!tpu.dma_semaphore, #tpu.memory_space<semaphore_mem>> -> memref<!tpu.dma_semaphore, #tpu.memory_space<semaphore_mem>>
    %dma_start3A_210 = arith.constant 0 : i32
    %dma_start3A_211 = tpu.memref_slice %arg4[%mul3A_199, %dma_start3A_210] : memref<819200x128xf32, #tpu.memory_space<hbm>> -> memref<128x128xf32, #tpu.memory_space<hbm>>
    %dma_start3A_212 = arith.constant 0 : i32
    %dma_start3A_213 = arith.constant 0 : i32
    %dma_start3A_214 = tpu.memref_slice %arg6[%dma_start3A_200, %dma_start3A_212, %dma_start3A_213] : memref<5x128x128xf32, #tpu.memory_space<vmem>> -> memref<1x128x128xf32, #tpu.memory_space<vmem>>
    %dma_start3A_215 = tpu.memref_squeeze %dma_start3A_214 : memref<1x128x128xf32, #tpu.memory_space<vmem>> -> memref<128x128xf32, #tpu.memory_space<vmem>>
    tpu.enqueue_dma source(%dma_start3A_215 : memref<128x128xf32, #tpu.memory_space<vmem>>) target(%dma_start3A_211 : memref<128x128xf32, #tpu.memory_space<hbm>>) target_semaphore(%dma_start3A_209 : memref<!tpu.dma_semaphore, #tpu.memory_space<semaphore_mem>>)
    %mul3A_216 = arith.constant 128 : i32
    %mul3A_217 = arith.muli %mul3A_2, %mul3A_216 : i32
    %dma_wait3A_218 = arith.constant 0 : i32
    %dma_wait3A_219 = arith.constant 0 : i32
    %dma_wait3A_220 = arith.constant 0 : i32
    %dma_wait3A_221 = arith.constant 0 : i32
    %dma_wait3A_222 = tpu.memref_slice %arg6[%dma_wait3A_218, %dma_wait3A_220, %dma_wait3A_221] : memref<5x128x128xf32, #tpu.memory_space<vmem>> -> memref<1x128x128xf32, #tpu.memory_space<vmem>>
    %dma_wait3A_223 = tpu.memref_squeeze %dma_wait3A_222 : memref<1x128x128xf32, #tpu.memory_space<vmem>> -> memref<128x128xf32, #tpu.memory_space<vmem>>
    %dma_wait3A_224 = arith.constant 0 : i32
    %dma_wait3A_225 = tpu.memref_slice %arg4[%mul3A_217, %dma_wait3A_224] : memref<819200x128xf32, #tpu.memory_space<hbm>> -> memref<128x128xf32, #tpu.memory_space<hbm>>
    %dma_wait3A_226 = tpu.memref_slice %arg8[%dma_wait3A_219] : memref<5x!tpu.dma_semaphore, #tpu.memory_space<semaphore_mem>> -> memref<1x!tpu.dma_semaphore, #tpu.memory_space<semaphore_mem>>
    %dma_wait3A_227 = tpu.memref_squeeze %dma_wait3A_226 : memref<1x!tpu.dma_semaphore, #tpu.memory_space<semaphore_mem>> -> memref<!tpu.dma_semaphore, #tpu.memory_space<semaphore_mem>>
    %dma_wait3A_228 = arith.constant 0 : i32
    %dma_wait3A_229 = tpu.memref_slice %arg4[%mul3A_217, %dma_wait3A_228] : memref<819200x128xf32, #tpu.memory_space<hbm>> -> memref<128x128xf32, #tpu.memory_space<hbm>>
    %dma_wait3A_230 = arith.constant 0 : i32
    %dma_wait3A_231 = arith.constant 0 : i32
    %dma_wait3A_232 = tpu.memref_slice %arg6[%dma_wait3A_218, %dma_wait3A_230, %dma_wait3A_231] : memref<5x128x128xf32, #tpu.memory_space<vmem>> -> memref<1x128x128xf32, #tpu.memory_space<vmem>>
    %dma_wait3A_233 = tpu.memref_squeeze %dma_wait3A_232 : memref<1x128x128xf32, #tpu.memory_space<vmem>> -> memref<128x128xf32, #tpu.memory_space<vmem>>
    tpu.wait_dma2 semaphore(%dma_wait3A_227 : memref<!tpu.dma_semaphore, #tpu.memory_space<semaphore_mem>>) src(%dma_wait3A_233 : memref<128x128xf32, #tpu.memory_space<vmem>>) dst(%dma_wait3A_229 : memref<128x128xf32, #tpu.memory_space<hbm>>)
    %dma_start3A_234 = arith.constant 5 : i32
    %dma_start3A_235 = arith.constant 0 : i32
    %dma_start3A_236 = arith.constant 0 : i32
    %dma_start3A_237 = arith.constant 0 : i32
    %dma_start3A_238 = arith.constant 0 : i32
    %dma_start3A_239 = tpu.memref_slice %arg6[%dma_start3A_235, %dma_start3A_237, %dma_start3A_238] : memref<5x128x128xf32, #tpu.memory_space<vmem>> -> memref<1x128x128xf32, #tpu.memory_space<vmem>>
    %dma_start3A_240 = tpu.memref_squeeze %dma_start3A_239 : memref<1x128x128xf32, #tpu.memory_space<vmem>> -> memref<128x128xf32, #tpu.memory_space<vmem>>
    %dma_start3A_241 = arith.constant 0 : i32
    %dma_start3A_242 = tpu.memref_slice %arg5[%dma_start3A_234, %dma_start3A_241] : memref<200x128xi32, #tpu.memory_space<vmem>> -> memref<1x128xi32, #tpu.memory_space<vmem>>
    %dma_start3A_243 = tpu.memref_squeeze %dma_start3A_242 : memref<1x128xi32, #tpu.memory_space<vmem>> -> memref<128xi32, #tpu.memory_space<vmem>>
    %dma_start3A_244 = arith.constant 0 : i32
    %dma_start3A_245 = arith.constant 0 : i32
    %dma_start3A_246 = tpu.memref_slice %arg3[%dma_start3A_244, %dma_start3A_245] : memref<100000x128xf32, #tpu.memory_space<hbm>> -> memref<100000x128xf32, #tpu.memory_space<hbm>>
    %dma_start3A_247 = tpu.memref_slice %arg7[%dma_start3A_236] : memref<5x!tpu.dma_semaphore, #tpu.memory_space<semaphore_mem>> -> memref<1x!tpu.dma_semaphore, #tpu.memory_space<semaphore_mem>>
    %dma_start3A_248 = tpu.memref_squeeze %dma_start3A_247 : memref<1x!tpu.dma_semaphore, #tpu.memory_space<semaphore_mem>> -> memref<!tpu.dma_semaphore, #tpu.memory_space<semaphore_mem>>
    tpu.enqueue_indirect_dma source(%dma_start3A_246 : memref<100000x128xf32, #tpu.memory_space<hbm>>) target(%dma_start3A_240 : memref<128x128xf32, #tpu.memory_space<vmem>>) offsets(%dma_start3A_243 : memref<128xi32, #tpu.memory_space<vmem>>) semaphore(%dma_start3A_248 : memref<!tpu.dma_semaphore, #tpu.memory_space<semaphore_mem>>)
    %dma_wait3A_249 = arith.constant 0 : i32
    %dma_wait3A_250 = arith.constant 4 : i32
    %dma_wait3A_251 = arith.constant 4 : i32
    %dma_wait3A_252 = arith.constant 0 : i32
    %dma_wait3A_253 = arith.constant 0 : i32
    %dma_wait3A_254 = tpu.memref_slice %arg6[%dma_wait3A_250, %dma_wait3A_252, %dma_wait3A_253] : memref<5x128x128xf32, #tpu.memory_space<vmem>> -> memref<1x128x128xf32, #tpu.memory_space<vmem>>
    %dma_wait3A_255 = tpu.memref_squeeze %dma_wait3A_254 : memref<1x128x128xf32, #tpu.memory_space<vmem>> -> memref<128x128xf32, #tpu.memory_space<vmem>>
    %dma_wait3A_256 = arith.constant 0 : i32
    %dma_wait3A_257 = tpu.memref_slice %arg5[%dma_wait3A_249, %dma_wait3A_256] : memref<200x128xi32, #tpu.memory_space<vmem>> -> memref<1x128xi32, #tpu.memory_space<vmem>>
    %dma_wait3A_258 = tpu.memref_squeeze %dma_wait3A_257 : memref<1x128xi32, #tpu.memory_space<vmem>> -> memref<128xi32, #tpu.memory_space<vmem>>
    %dma_wait3A_259 = arith.constant 0 : i32
    %dma_wait3A_260 = arith.constant 0 : i32
    %dma_wait3A_261 = tpu.memref_slice %arg3[%dma_wait3A_259, %dma_wait3A_260] : memref<100000x128xf32, #tpu.memory_space<hbm>> -> memref<100000x128xf32, #tpu.memory_space<hbm>>
    %dma_wait3A_262 = tpu.memref_slice %arg7[%dma_wait3A_251] : memref<5x!tpu.dma_semaphore, #tpu.memory_space<semaphore_mem>> -> memref<1x!tpu.dma_semaphore, #tpu.memory_space<semaphore_mem>>
    %dma_wait3A_263 = tpu.memref_squeeze %dma_wait3A_262 : memref<1x!tpu.dma_semaphore, #tpu.memory_space<semaphore_mem>> -> memref<!tpu.dma_semaphore, #tpu.memory_space<semaphore_mem>>
    tpu.wait_indirect_dma semaphore(%dma_wait3A_263 : memref<!tpu.dma_semaphore, #tpu.memory_space<semaphore_mem>>) src(%dma_wait3A_261 : memref<100000x128xf32, #tpu.memory_space<hbm>>) dst(%dma_wait3A_255 : memref<128x128xf32, #tpu.memory_space<vmem>>)
    %add3A_264 = arith.constant 4 : i32
    %add3A_265 = arith.addi %mul3A_2, %add3A_264 : i32
    %mul3A_266 = arith.constant 128 : i32
    %mul3A_267 = arith.muli %add3A_265, %mul3A_266 : i32
    %dma_start3A_268 = arith.constant 4 : i32
    %dma_start3A_269 = arith.constant 4 : i32
    %dma_start3A_270 = arith.constant 0 : i32
    %dma_start3A_271 = arith.constant 0 : i32
    %dma_start3A_272 = tpu.memref_slice %arg6[%dma_start3A_268, %dma_start3A_270, %dma_start3A_271] : memref<5x128x128xf32, #tpu.memory_space<vmem>> -> memref<1x128x128xf32, #tpu.memory_space<vmem>>
    %dma_start3A_273 = tpu.memref_squeeze %dma_start3A_272 : memref<1x128x128xf32, #tpu.memory_space<vmem>> -> memref<128x128xf32, #tpu.memory_space<vmem>>
    %dma_start3A_274 = arith.constant 0 : i32
    %dma_start3A_275 = tpu.memref_slice %arg4[%mul3A_267, %dma_start3A_274] : memref<819200x128xf32, #tpu.memory_space<hbm>> -> memref<128x128xf32, #tpu.memory_space<hbm>>
    %dma_start3A_276 = tpu.memref_slice %arg8[%dma_start3A_269] : memref<5x!tpu.dma_semaphore, #tpu.memory_space<semaphore_mem>> -> memref<1x!tpu.dma_semaphore, #tpu.memory_space<semaphore_mem>>
    %dma_start3A_277 = tpu.memref_squeeze %dma_start3A_276 : memref<1x!tpu.dma_semaphore, #tpu.memory_space<semaphore_mem>> -> memref<!tpu.dma_semaphore, #tpu.memory_space<semaphore_mem>>
    %dma_start3A_278 = arith.constant 0 : i32
    %dma_start3A_279 = tpu.memref_slice %arg4[%mul3A_267, %dma_start3A_278] : memref<819200x128xf32, #tpu.memory_space<hbm>> -> memref<128x128xf32, #tpu.memory_space<hbm>>
    %dma_start3A_280 = arith.constant 0 : i32
    %dma_start3A_281 = arith.constant 0 : i32
    %dma_start3A_282 = tpu.memref_slice %arg6[%dma_start3A_268, %dma_start3A_280, %dma_start3A_281] : memref<5x128x128xf32, #tpu.memory_space<vmem>> -> memref<1x128x128xf32, #tpu.memory_space<vmem>>
    %dma_start3A_283 = tpu.memref_squeeze %dma_start3A_282 : memref<1x128x128xf32, #tpu.memory_space<vmem>> -> memref<128x128xf32, #tpu.memory_space<vmem>>
    tpu.enqueue_dma source(%dma_start3A_283 : memref<128x128xf32, #tpu.memory_space<vmem>>) target(%dma_start3A_279 : memref<128x128xf32, #tpu.memory_space<hbm>>) target_semaphore(%dma_start3A_277 : memref<!tpu.dma_semaphore, #tpu.memory_space<semaphore_mem>>)
    %mul3A_284 = arith.constant 128 : i32
    %mul3A_285 = arith.muli %mul3A_2, %mul3A_284 : i32
    %dma_wait3A_286 = arith.constant 1 : i32
    %dma_wait3A_287 = arith.constant 1 : i32
    %dma_wait3A_288 = arith.constant 0 : i32
    %dma_wait3A_289 = arith.constant 0 : i32
    %dma_wait3A_290 = tpu.memref_slice %arg6[%dma_wait3A_286, %dma_wait3A_288, %dma_wait3A_289] : memref<5x128x128xf32, #tpu.memory_space<vmem>> -> memref<1x128x128xf32, #tpu.memory_space<vmem>>
    %dma_wait3A_291 = tpu.memref_squeeze %dma_wait3A_290 : memref<1x128x128xf32, #tpu.memory_space<vmem>> -> memref<128x128xf32, #tpu.memory_space<vmem>>
    %dma_wait3A_292 = arith.constant 0 : i32
    %dma_wait3A_293 = tpu.memref_slice %arg4[%mul3A_285, %dma_wait3A_292] : memref<819200x128xf32, #tpu.memory_space<hbm>> -> memref<128x128xf32, #tpu.memory_space<hbm>>
    %dma_wait3A_294 = tpu.memref_slice %arg8[%dma_wait3A_287] : memref<5x!tpu.dma_semaphore, #tpu.memory_space<semaphore_mem>> -> memref<1x!tpu.dma_semaphore, #tpu.memory_space<semaphore_mem>>
    %dma_wait3A_295 = tpu.memref_squeeze %dma_wait3A_294 : memref<1x!tpu.dma_semaphore, #tpu.memory_space<semaphore_mem>> -> memref<!tpu.dma_semaphore, #tpu.memory_space<semaphore_mem>>
    %dma_wait3A_296 = arith.constant 0 : i32
    %dma_wait3A_297 = tpu.memref_slice %arg4[%mul3A_285, %dma_wait3A_296] : memref<819200x128xf32, #tpu.memory_space<hbm>> -> memref<128x128xf32, #tpu.memory_space<hbm>>
    %dma_wait3A_298 = arith.constant 0 : i32
    %dma_wait3A_299 = arith.constant 0 : i32
    %dma_wait3A_300 = tpu.memref_slice %arg6[%dma_wait3A_286, %dma_wait3A_298, %dma_wait3A_299] : memref<5x128x128xf32, #tpu.memory_space<vmem>> -> memref<1x128x128xf32, #tpu.memory_space<vmem>>
    %dma_wait3A_301 = tpu.memref_squeeze %dma_wait3A_300 : memref<1x128x128xf32, #tpu.memory_space<vmem>> -> memref<128x128xf32, #tpu.memory_space<vmem>>
    tpu.wait_dma2 semaphore(%dma_wait3A_295 : memref<!tpu.dma_semaphore, #tpu.memory_space<semaphore_mem>>) src(%dma_wait3A_301 : memref<128x128xf32, #tpu.memory_space<vmem>>) dst(%dma_wait3A_297 : memref<128x128xf32, #tpu.memory_space<hbm>>)
    %dma_start3A_302 = arith.constant 6 : i32
    %dma_start3A_303 = arith.constant 1 : i32
    %dma_start3A_304 = arith.constant 1 : i32
    %dma_start3A_305 = arith.constant 0 : i32
    %dma_start3A_306 = arith.constant 0 : i32
    %dma_start3A_307 = tpu.memref_slice %arg6[%dma_start3A_303, %dma_start3A_305, %dma_start3A_306] : memref<5x128x128xf32, #tpu.memory_space<vmem>> -> memref<1x128x128xf32, #tpu.memory_space<vmem>>
    %dma_start3A_308 = tpu.memref_squeeze %dma_start3A_307 : memref<1x128x128xf32, #tpu.memory_space<vmem>> -> memref<128x128xf32, #tpu.memory_space<vmem>>
    %dma_start3A_309 = arith.constant 0 : i32
    %dma_start3A_310 = tpu.memref_slice %arg5[%dma_start3A_302, %dma_start3A_309] : memref<200x128xi32, #tpu.memory_space<vmem>> -> memref<1x128xi32, #tpu.memory_space<vmem>>
    %dma_start3A_311 = tpu.memref_squeeze %dma_start3A_310 : memref<1x128xi32, #tpu.memory_space<vmem>> -> memref<128xi32, #tpu.memory_space<vmem>>
    %dma_start3A_312 = arith.constant 0 : i32
    %dma_start3A_313 = arith.constant 0 : i32
    %dma_start3A_314 = tpu.memref_slice %arg3[%dma_start3A_312, %dma_start3A_313] : memref<100000x128xf32, #tpu.memory_space<hbm>> -> memref<100000x128xf32, #tpu.memory_space<hbm>>
    %dma_start3A_315 = tpu.memref_slice %arg7[%dma_start3A_304] : memref<5x!tpu.dma_semaphore, #tpu.memory_space<semaphore_mem>> -> memref<1x!tpu.dma_semaphore, #tpu.memory_space<semaphore_mem>>
    %dma_start3A_316 = tpu.memref_squeeze %dma_start3A_315 : memref<1x!tpu.dma_semaphore, #tpu.memory_space<semaphore_mem>> -> memref<!tpu.dma_semaphore, #tpu.memory_space<semaphore_mem>>
    tpu.enqueue_indirect_dma source(%dma_start3A_314 : memref<100000x128xf32, #tpu.memory_space<hbm>>) target(%dma_start3A_308 : memref<128x128xf32, #tpu.memory_space<vmem>>) offsets(%dma_start3A_311 : memref<128xi32, #tpu.memory_space<vmem>>) semaphore(%dma_start3A_316 : memref<!tpu.dma_semaphore, #tpu.memory_space<semaphore_mem>>)
    %scan3A = arith.constant 0 : i32
    %scan3A_317 = arith.constant 1 : i32
    %scan3A_318 = arith.constant 38 : i32
    %scan3A_319 = arith.addi %scan3A_317, %scan3A_318 : i32
    %scan3A_320 = arith.constant 1 : i32
    scf.for %scan3A_686 = %scan3A_317 to %scan3A_319 step %scan3A_320  : i32 {
      %mul3A_687 = arith.constant 5 : i32
      %mul3A_688 = arith.muli %scan3A_686, %mul3A_687 : i32
      %add3A_689 = arith.constant 0 : i32
      %add3A_690 = arith.addi %mul3A_688, %add3A_689 : i32
      %dma_wait3A_691 = arith.constant 0 : i32
      %dma_wait3A_692 = arith.constant 0 : i32
      %dma_wait3A_693 = arith.constant 0 : i32
      %dma_wait3A_694 = arith.constant 0 : i32
      %dma_wait3A_695 = arith.constant 0 : i32
      %dma_wait3A_696 = tpu.memref_slice %arg6[%dma_wait3A_692, %dma_wait3A_694, %dma_wait3A_695] : memref<5x128x128xf32, #tpu.memory_space<vmem>> -> memref<1x128x128xf32, #tpu.memory_space<vmem>>
      %dma_wait3A_697 = tpu.memref_squeeze %dma_wait3A_696 : memref<1x128x128xf32, #tpu.memory_space<vmem>> -> memref<128x128xf32, #tpu.memory_space<vmem>>
      %dma_wait3A_698 = arith.constant 0 : i32
      %dma_wait3A_699 = tpu.memref_slice %arg5[%dma_wait3A_691, %dma_wait3A_698] : memref<200x128xi32, #tpu.memory_space<vmem>> -> memref<1x128xi32, #tpu.memory_space<vmem>>
      %dma_wait3A_700 = tpu.memref_squeeze %dma_wait3A_699 : memref<1x128xi32, #tpu.memory_space<vmem>> -> memref<128xi32, #tpu.memory_space<vmem>>
      %dma_wait3A_701 = arith.constant 0 : i32
      %dma_wait3A_702 = arith.constant 0 : i32
      %dma_wait3A_703 = tpu.memref_slice %arg3[%dma_wait3A_701, %dma_wait3A_702] : memref<100000x128xf32, #tpu.memory_space<hbm>> -> memref<100000x128xf32, #tpu.memory_space<hbm>>
      %dma_wait3A_704 = tpu.memref_slice %arg7[%dma_wait3A_693] : memref<5x!tpu.dma_semaphore, #tpu.memory_space<semaphore_mem>> -> memref<1x!tpu.dma_semaphore, #tpu.memory_space<semaphore_mem>>
      %dma_wait3A_705 = tpu.memref_squeeze %dma_wait3A_704 : memref<1x!tpu.dma_semaphore, #tpu.memory_space<semaphore_mem>> -> memref<!tpu.dma_semaphore, #tpu.memory_space<semaphore_mem>>
      tpu.wait_indirect_dma semaphore(%dma_wait3A_705 : memref<!tpu.dma_semaphore, #tpu.memory_space<semaphore_mem>>) src(%dma_wait3A_703 : memref<100000x128xf32, #tpu.memory_space<hbm>>) dst(%dma_wait3A_697 : memref<128x128xf32, #tpu.memory_space<vmem>>)
      %add3A_706 = arith.addi %mul3A_2, %add3A_690 : i32
      %mul3A_707 = arith.constant 128 : i32
      %mul3A_708 = arith.muli %add3A_706, %mul3A_707 : i32
      %dma_start3A_709 = arith.constant 0 : i32
      %dma_start3A_710 = arith.constant 0 : i32
      %dma_start3A_711 = arith.constant 0 : i32
      %dma_start3A_712 = arith.constant 0 : i32
      %dma_start3A_713 = tpu.memref_slice %arg6[%dma_start3A_709, %dma_start3A_711, %dma_start3A_712] : memref<5x128x128xf32, #tpu.memory_space<vmem>> -> memref<1x128x128xf32, #tpu.memory_space<vmem>>
      %dma_start3A_714 = tpu.memref_squeeze %dma_start3A_713 : memref<1x128x128xf32, #tpu.memory_space<vmem>> -> memref<128x128xf32, #tpu.memory_space<vmem>>
      %dma_start3A_715 = arith.constant 0 : i32
      %dma_start3A_716 = tpu.memref_slice %arg4[%mul3A_708, %dma_start3A_715] : memref<819200x128xf32, #tpu.memory_space<hbm>> -> memref<128x128xf32, #tpu.memory_space<hbm>>
      %dma_start3A_717 = tpu.memref_slice %arg8[%dma_start3A_710] : memref<5x!tpu.dma_semaphore, #tpu.memory_space<semaphore_mem>> -> memref<1x!tpu.dma_semaphore, #tpu.memory_space<semaphore_mem>>
      %dma_start3A_718 = tpu.memref_squeeze %dma_start3A_717 : memref<1x!tpu.dma_semaphore, #tpu.memory_space<semaphore_mem>> -> memref<!tpu.dma_semaphore, #tpu.memory_space<semaphore_mem>>
      %dma_start3A_719 = arith.constant 0 : i32
      %dma_start3A_720 = tpu.memref_slice %arg4[%mul3A_708, %dma_start3A_719] : memref<819200x128xf32, #tpu.memory_space<hbm>> -> memref<128x128xf32, #tpu.memory_space<hbm>>
      %dma_start3A_721 = arith.constant 0 : i32
      %dma_start3A_722 = arith.constant 0 : i32
      %dma_start3A_723 = tpu.memref_slice %arg6[%dma_start3A_709, %dma_start3A_721, %dma_start3A_722] : memref<5x128x128xf32, #tpu.memory_space<vmem>> -> memref<1x128x128xf32, #tpu.memory_space<vmem>>
      %dma_start3A_724 = tpu.memref_squeeze %dma_start3A_723 : memref<1x128x128xf32, #tpu.memory_space<vmem>> -> memref<128x128xf32, #tpu.memory_space<vmem>>
      tpu.enqueue_dma source(%dma_start3A_724 : memref<128x128xf32, #tpu.memory_space<vmem>>) target(%dma_start3A_720 : memref<128x128xf32, #tpu.memory_space<hbm>>) target_semaphore(%dma_start3A_718 : memref<!tpu.dma_semaphore, #tpu.memory_space<semaphore_mem>>)
      %mul3A_725 = arith.constant 128 : i32
      %mul3A_726 = arith.muli %mul3A_2, %mul3A_725 : i32
      %dma_wait3A_727 = arith.constant 2 : i32
      %dma_wait3A_728 = arith.constant 2 : i32
      %dma_wait3A_729 = arith.constant 0 : i32
      %dma_wait3A_730 = arith.constant 0 : i32
      %dma_wait3A_731 = tpu.memref_slice %arg6[%dma_wait3A_727, %dma_wait3A_729, %dma_wait3A_730] : memref<5x128x128xf32, #tpu.memory_space<vmem>> -> memref<1x128x128xf32, #tpu.memory_space<vmem>>
      %dma_wait3A_732 = tpu.memref_squeeze %dma_wait3A_731 : memref<1x128x128xf32, #tpu.memory_space<vmem>> -> memref<128x128xf32, #tpu.memory_space<vmem>>
      %dma_wait3A_733 = arith.constant 0 : i32
      %dma_wait3A_734 = tpu.memref_slice %arg4[%mul3A_726, %dma_wait3A_733] : memref<819200x128xf32, #tpu.memory_space<hbm>> -> memref<128x128xf32, #tpu.memory_space<hbm>>
      %dma_wait3A_735 = tpu.memref_slice %arg8[%dma_wait3A_728] : memref<5x!tpu.dma_semaphore, #tpu.memory_space<semaphore_mem>> -> memref<1x!tpu.dma_semaphore, #tpu.memory_space<semaphore_mem>>
      %dma_wait3A_736 = tpu.memref_squeeze %dma_wait3A_735 : memref<1x!tpu.dma_semaphore, #tpu.memory_space<semaphore_mem>> -> memref<!tpu.dma_semaphore, #tpu.memory_space<semaphore_mem>>
      %dma_wait3A_737 = arith.constant 0 : i32
      %dma_wait3A_738 = tpu.memref_slice %arg4[%mul3A_726, %dma_wait3A_737] : memref<819200x128xf32, #tpu.memory_space<hbm>> -> memref<128x128xf32, #tpu.memory_space<hbm>>
      %dma_wait3A_739 = arith.constant 0 : i32
      %dma_wait3A_740 = arith.constant 0 : i32
      %dma_wait3A_741 = tpu.memref_slice %arg6[%dma_wait3A_727, %dma_wait3A_739, %dma_wait3A_740] : memref<5x128x128xf32, #tpu.memory_space<vmem>> -> memref<1x128x128xf32, #tpu.memory_space<vmem>>
      %dma_wait3A_742 = tpu.memref_squeeze %dma_wait3A_741 : memref<1x128x128xf32, #tpu.memory_space<vmem>> -> memref<128x128xf32, #tpu.memory_space<vmem>>
      tpu.wait_dma2 semaphore(%dma_wait3A_736 : memref<!tpu.dma_semaphore, #tpu.memory_space<semaphore_mem>>) src(%dma_wait3A_742 : memref<128x128xf32, #tpu.memory_space<vmem>>) dst(%dma_wait3A_738 : memref<128x128xf32, #tpu.memory_space<hbm>>)
      %add3A_743 = arith.constant 2 : i32
      %add3A_744 = arith.addi %add3A_690, %add3A_743 : i32
      %dma_start3A_745 = arith.constant 2 : i32
      %dma_start3A_746 = arith.constant 2 : i32
      %dma_start3A_747 = arith.constant 0 : i32
      %dma_start3A_748 = arith.constant 0 : i32
      %dma_start3A_749 = tpu.memref_slice %arg6[%dma_start3A_745, %dma_start3A_747, %dma_start3A_748] : memref<5x128x128xf32, #tpu.memory_space<vmem>> -> memref<1x128x128xf32, #tpu.memory_space<vmem>>
      %dma_start3A_750 = tpu.memref_squeeze %dma_start3A_749 : memref<1x128x128xf32, #tpu.memory_space<vmem>> -> memref<128x128xf32, #tpu.memory_space<vmem>>
      %dma_start3A_751 = arith.constant 0 : i32
      %dma_start3A_752 = tpu.memref_slice %arg5[%add3A_744, %dma_start3A_751] : memref<200x128xi32, #tpu.memory_space<vmem>> -> memref<1x128xi32, #tpu.memory_space<vmem>>
      %dma_start3A_753 = tpu.memref_squeeze %dma_start3A_752 : memref<1x128xi32, #tpu.memory_space<vmem>> -> memref<128xi32, #tpu.memory_space<vmem>>
      %dma_start3A_754 = arith.constant 0 : i32
      %dma_start3A_755 = arith.constant 0 : i32
      %dma_start3A_756 = tpu.memref_slice %arg3[%dma_start3A_754, %dma_start3A_755] : memref<100000x128xf32, #tpu.memory_space<hbm>> -> memref<100000x128xf32, #tpu.memory_space<hbm>>
      %dma_start3A_757 = tpu.memref_slice %arg7[%dma_start3A_746] : memref<5x!tpu.dma_semaphore, #tpu.memory_space<semaphore_mem>> -> memref<1x!tpu.dma_semaphore, #tpu.memory_space<semaphore_mem>>
      %dma_start3A_758 = tpu.memref_squeeze %dma_start3A_757 : memref<1x!tpu.dma_semaphore, #tpu.memory_space<semaphore_mem>> -> memref<!tpu.dma_semaphore, #tpu.memory_space<semaphore_mem>>
      tpu.enqueue_indirect_dma source(%dma_start3A_756 : memref<100000x128xf32, #tpu.memory_space<hbm>>) target(%dma_start3A_750 : memref<128x128xf32, #tpu.memory_space<vmem>>) offsets(%dma_start3A_753 : memref<128xi32, #tpu.memory_space<vmem>>) semaphore(%dma_start3A_758 : memref<!tpu.dma_semaphore, #tpu.memory_space<semaphore_mem>>)
      %mul3A_759 = arith.constant 5 : i32
      %mul3A_760 = arith.muli %scan3A_686, %mul3A_759 : i32
      %add3A_761 = arith.constant 1 : i32
      %add3A_762 = arith.addi %mul3A_760, %add3A_761 : i32
      %dma_wait3A_763 = arith.constant 0 : i32
      %dma_wait3A_764 = arith.constant 1 : i32
      %dma_wait3A_765 = arith.constant 1 : i32
      %dma_wait3A_766 = arith.constant 0 : i32
      %dma_wait3A_767 = arith.constant 0 : i32
      %dma_wait3A_768 = tpu.memref_slice %arg6[%dma_wait3A_764, %dma_wait3A_766, %dma_wait3A_767] : memref<5x128x128xf32, #tpu.memory_space<vmem>> -> memref<1x128x128xf32, #tpu.memory_space<vmem>>
      %dma_wait3A_769 = tpu.memref_squeeze %dma_wait3A_768 : memref<1x128x128xf32, #tpu.memory_space<vmem>> -> memref<128x128xf32, #tpu.memory_space<vmem>>
      %dma_wait3A_770 = arith.constant 0 : i32
      %dma_wait3A_771 = tpu.memref_slice %arg5[%dma_wait3A_763, %dma_wait3A_770] : memref<200x128xi32, #tpu.memory_space<vmem>> -> memref<1x128xi32, #tpu.memory_space<vmem>>
      %dma_wait3A_772 = tpu.memref_squeeze %dma_wait3A_771 : memref<1x128xi32, #tpu.memory_space<vmem>> -> memref<128xi32, #tpu.memory_space<vmem>>
      %dma_wait3A_773 = arith.constant 0 : i32
      %dma_wait3A_774 = arith.constant 0 : i32
      %dma_wait3A_775 = tpu.memref_slice %arg3[%dma_wait3A_773, %dma_wait3A_774] : memref<100000x128xf32, #tpu.memory_space<hbm>> -> memref<100000x128xf32, #tpu.memory_space<hbm>>
      %dma_wait3A_776 = tpu.memref_slice %arg7[%dma_wait3A_765] : memref<5x!tpu.dma_semaphore, #tpu.memory_space<semaphore_mem>> -> memref<1x!tpu.dma_semaphore, #tpu.memory_space<semaphore_mem>>
      %dma_wait3A_777 = tpu.memref_squeeze %dma_wait3A_776 : memref<1x!tpu.dma_semaphore, #tpu.memory_space<semaphore_mem>> -> memref<!tpu.dma_semaphore, #tpu.memory_space<semaphore_mem>>
      tpu.wait_indirect_dma semaphore(%dma_wait3A_777 : memref<!tpu.dma_semaphore, #tpu.memory_space<semaphore_mem>>) src(%dma_wait3A_775 : memref<100000x128xf32, #tpu.memory_space<hbm>>) dst(%dma_wait3A_769 : memref<128x128xf32, #tpu.memory_space<vmem>>)
      %add3A_778 = arith.addi %mul3A_2, %add3A_762 : i32
      %mul3A_779 = arith.constant 128 : i32
      %mul3A_780 = arith.muli %add3A_778, %mul3A_779 : i32
      %dma_start3A_781 = arith.constant 1 : i32
      %dma_start3A_782 = arith.constant 1 : i32
      %dma_start3A_783 = arith.constant 0 : i32
      %dma_start3A_784 = arith.constant 0 : i32
      %dma_start3A_785 = tpu.memref_slice %arg6[%dma_start3A_781, %dma_start3A_783, %dma_start3A_784] : memref<5x128x128xf32, #tpu.memory_space<vmem>> -> memref<1x128x128xf32, #tpu.memory_space<vmem>>
      %dma_start3A_786 = tpu.memref_squeeze %dma_start3A_785 : memref<1x128x128xf32, #tpu.memory_space<vmem>> -> memref<128x128xf32, #tpu.memory_space<vmem>>
      %dma_start3A_787 = arith.constant 0 : i32
      %dma_start3A_788 = tpu.memref_slice %arg4[%mul3A_780, %dma_start3A_787] : memref<819200x128xf32, #tpu.memory_space<hbm>> -> memref<128x128xf32, #tpu.memory_space<hbm>>
      %dma_start3A_789 = tpu.memref_slice %arg8[%dma_start3A_782] : memref<5x!tpu.dma_semaphore, #tpu.memory_space<semaphore_mem>> -> memref<1x!tpu.dma_semaphore, #tpu.memory_space<semaphore_mem>>
      %dma_start3A_790 = tpu.memref_squeeze %dma_start3A_789 : memref<1x!tpu.dma_semaphore, #tpu.memory_space<semaphore_mem>> -> memref<!tpu.dma_semaphore, #tpu.memory_space<semaphore_mem>>
      %dma_start3A_791 = arith.constant 0 : i32
      %dma_start3A_792 = tpu.memref_slice %arg4[%mul3A_780, %dma_start3A_791] : memref<819200x128xf32, #tpu.memory_space<hbm>> -> memref<128x128xf32, #tpu.memory_space<hbm>>
      %dma_start3A_793 = arith.constant 0 : i32
      %dma_start3A_794 = arith.constant 0 : i32
      %dma_start3A_795 = tpu.memref_slice %arg6[%dma_start3A_781, %dma_start3A_793, %dma_start3A_794] : memref<5x128x128xf32, #tpu.memory_space<vmem>> -> memref<1x128x128xf32, #tpu.memory_space<vmem>>
      %dma_start3A_796 = tpu.memref_squeeze %dma_start3A_795 : memref<1x128x128xf32, #tpu.memory_space<vmem>> -> memref<128x128xf32, #tpu.memory_space<vmem>>
      tpu.enqueue_dma source(%dma_start3A_796 : memref<128x128xf32, #tpu.memory_space<vmem>>) target(%dma_start3A_792 : memref<128x128xf32, #tpu.memory_space<hbm>>) target_semaphore(%dma_start3A_790 : memref<!tpu.dma_semaphore, #tpu.memory_space<semaphore_mem>>)
      %mul3A_797 = arith.constant 128 : i32
      %mul3A_798 = arith.muli %mul3A_2, %mul3A_797 : i32
      %dma_wait3A_799 = arith.constant 3 : i32
      %dma_wait3A_800 = arith.constant 3 : i32
      %dma_wait3A_801 = arith.constant 0 : i32
      %dma_wait3A_802 = arith.constant 0 : i32
      %dma_wait3A_803 = tpu.memref_slice %arg6[%dma_wait3A_799, %dma_wait3A_801, %dma_wait3A_802] : memref<5x128x128xf32, #tpu.memory_space<vmem>> -> memref<1x128x128xf32, #tpu.memory_space<vmem>>
      %dma_wait3A_804 = tpu.memref_squeeze %dma_wait3A_803 : memref<1x128x128xf32, #tpu.memory_space<vmem>> -> memref<128x128xf32, #tpu.memory_space<vmem>>
      %dma_wait3A_805 = arith.constant 0 : i32
      %dma_wait3A_806 = tpu.memref_slice %arg4[%mul3A_798, %dma_wait3A_805] : memref<819200x128xf32, #tpu.memory_space<hbm>> -> memref<128x128xf32, #tpu.memory_space<hbm>>
      %dma_wait3A_807 = tpu.memref_slice %arg8[%dma_wait3A_800] : memref<5x!tpu.dma_semaphore, #tpu.memory_space<semaphore_mem>> -> memref<1x!tpu.dma_semaphore, #tpu.memory_space<semaphore_mem>>
      %dma_wait3A_808 = tpu.memref_squeeze %dma_wait3A_807 : memref<1x!tpu.dma_semaphore, #tpu.memory_space<semaphore_mem>> -> memref<!tpu.dma_semaphore, #tpu.memory_space<semaphore_mem>>
      %dma_wait3A_809 = arith.constant 0 : i32
      %dma_wait3A_810 = tpu.memref_slice %arg4[%mul3A_798, %dma_wait3A_809] : memref<819200x128xf32, #tpu.memory_space<hbm>> -> memref<128x128xf32, #tpu.memory_space<hbm>>
      %dma_wait3A_811 = arith.constant 0 : i32
      %dma_wait3A_812 = arith.constant 0 : i32
      %dma_wait3A_813 = tpu.memref_slice %arg6[%dma_wait3A_799, %dma_wait3A_811, %dma_wait3A_812] : memref<5x128x128xf32, #tpu.memory_space<vmem>> -> memref<1x128x128xf32, #tpu.memory_space<vmem>>
      %dma_wait3A_814 = tpu.memref_squeeze %dma_wait3A_813 : memref<1x128x128xf32, #tpu.memory_space<vmem>> -> memref<128x128xf32, #tpu.memory_space<vmem>>
      tpu.wait_dma2 semaphore(%dma_wait3A_808 : memref<!tpu.dma_semaphore, #tpu.memory_space<semaphore_mem>>) src(%dma_wait3A_814 : memref<128x128xf32, #tpu.memory_space<vmem>>) dst(%dma_wait3A_810 : memref<128x128xf32, #tpu.memory_space<hbm>>)
      %add3A_815 = arith.constant 2 : i32
      %add3A_816 = arith.addi %add3A_762, %add3A_815 : i32
      %dma_start3A_817 = arith.constant 3 : i32
      %dma_start3A_818 = arith.constant 3 : i32
      %dma_start3A_819 = arith.constant 0 : i32
      %dma_start3A_820 = arith.constant 0 : i32
      %dma_start3A_821 = tpu.memref_slice %arg6[%dma_start3A_817, %dma_start3A_819, %dma_start3A_820] : memref<5x128x128xf32, #tpu.memory_space<vmem>> -> memref<1x128x128xf32, #tpu.memory_space<vmem>>
      %dma_start3A_822 = tpu.memref_squeeze %dma_start3A_821 : memref<1x128x128xf32, #tpu.memory_space<vmem>> -> memref<128x128xf32, #tpu.memory_space<vmem>>
      %dma_start3A_823 = arith.constant 0 : i32
      %dma_start3A_824 = tpu.memref_slice %arg5[%add3A_816, %dma_start3A_823] : memref<200x128xi32, #tpu.memory_space<vmem>> -> memref<1x128xi32, #tpu.memory_space<vmem>>
      %dma_start3A_825 = tpu.memref_squeeze %dma_start3A_824 : memref<1x128xi32, #tpu.memory_space<vmem>> -> memref<128xi32, #tpu.memory_space<vmem>>
      %dma_start3A_826 = arith.constant 0 : i32
      %dma_start3A_827 = arith.constant 0 : i32
      %dma_start3A_828 = tpu.memref_slice %arg3[%dma_start3A_826, %dma_start3A_827] : memref<100000x128xf32, #tpu.memory_space<hbm>> -> memref<100000x128xf32, #tpu.memory_space<hbm>>
      %dma_start3A_829 = tpu.memref_slice %arg7[%dma_start3A_818] : memref<5x!tpu.dma_semaphore, #tpu.memory_space<semaphore_mem>> -> memref<1x!tpu.dma_semaphore, #tpu.memory_space<semaphore_mem>>
      %dma_start3A_830 = tpu.memref_squeeze %dma_start3A_829 : memref<1x!tpu.dma_semaphore, #tpu.memory_space<semaphore_mem>> -> memref<!tpu.dma_semaphore, #tpu.memory_space<semaphore_mem>>
      tpu.enqueue_indirect_dma source(%dma_start3A_828 : memref<100000x128xf32, #tpu.memory_space<hbm>>) target(%dma_start3A_822 : memref<128x128xf32, #tpu.memory_space<vmem>>) offsets(%dma_start3A_825 : memref<128xi32, #tpu.memory_space<vmem>>) semaphore(%dma_start3A_830 : memref<!tpu.dma_semaphore, #tpu.memory_space<semaphore_mem>>)
      %mul3A_831 = arith.constant 5 : i32
      %mul3A_832 = arith.muli %scan3A_686, %mul3A_831 : i32
      %add3A_833 = arith.constant 2 : i32
      %add3A_834 = arith.addi %mul3A_832, %add3A_833 : i32
      %dma_wait3A_835 = arith.constant 0 : i32
      %dma_wait3A_836 = arith.constant 2 : i32
      %dma_wait3A_837 = arith.constant 2 : i32
      %dma_wait3A_838 = arith.constant 0 : i32
      %dma_wait3A_839 = arith.constant 0 : i32
      %dma_wait3A_840 = tpu.memref_slice %arg6[%dma_wait3A_836, %dma_wait3A_838, %dma_wait3A_839] : memref<5x128x128xf32, #tpu.memory_space<vmem>> -> memref<1x128x128xf32, #tpu.memory_space<vmem>>
      %dma_wait3A_841 = tpu.memref_squeeze %dma_wait3A_840 : memref<1x128x128xf32, #tpu.memory_space<vmem>> -> memref<128x128xf32, #tpu.memory_space<vmem>>
      %dma_wait3A_842 = arith.constant 0 : i32
      %dma_wait3A_843 = tpu.memref_slice %arg5[%dma_wait3A_835, %dma_wait3A_842] : memref<200x128xi32, #tpu.memory_space<vmem>> -> memref<1x128xi32, #tpu.memory_space<vmem>>
      %dma_wait3A_844 = tpu.memref_squeeze %dma_wait3A_843 : memref<1x128xi32, #tpu.memory_space<vmem>> -> memref<128xi32, #tpu.memory_space<vmem>>
      %dma_wait3A_845 = arith.constant 0 : i32
      %dma_wait3A_846 = arith.constant 0 : i32
      %dma_wait3A_847 = tpu.memref_slice %arg3[%dma_wait3A_845, %dma_wait3A_846] : memref<100000x128xf32, #tpu.memory_space<hbm>> -> memref<100000x128xf32, #tpu.memory_space<hbm>>
      %dma_wait3A_848 = tpu.memref_slice %arg7[%dma_wait3A_837] : memref<5x!tpu.dma_semaphore, #tpu.memory_space<semaphore_mem>> -> memref<1x!tpu.dma_semaphore, #tpu.memory_space<semaphore_mem>>
      %dma_wait3A_849 = tpu.memref_squeeze %dma_wait3A_848 : memref<1x!tpu.dma_semaphore, #tpu.memory_space<semaphore_mem>> -> memref<!tpu.dma_semaphore, #tpu.memory_space<semaphore_mem>>
      tpu.wait_indirect_dma semaphore(%dma_wait3A_849 : memref<!tpu.dma_semaphore, #tpu.memory_space<semaphore_mem>>) src(%dma_wait3A_847 : memref<100000x128xf32, #tpu.memory_space<hbm>>) dst(%dma_wait3A_841 : memref<128x128xf32, #tpu.memory_space<vmem>>)
      %add3A_850 = arith.addi %mul3A_2, %add3A_834 : i32
      %mul3A_851 = arith.constant 128 : i32
      %mul3A_852 = arith.muli %add3A_850, %mul3A_851 : i32
      %dma_start3A_853 = arith.constant 2 : i32
      %dma_start3A_854 = arith.constant 2 : i32
      %dma_start3A_855 = arith.constant 0 : i32
      %dma_start3A_856 = arith.constant 0 : i32
      %dma_start3A_857 = tpu.memref_slice %arg6[%dma_start3A_853, %dma_start3A_855, %dma_start3A_856] : memref<5x128x128xf32, #tpu.memory_space<vmem>> -> memref<1x128x128xf32, #tpu.memory_space<vmem>>
      %dma_start3A_858 = tpu.memref_squeeze %dma_start3A_857 : memref<1x128x128xf32, #tpu.memory_space<vmem>> -> memref<128x128xf32, #tpu.memory_space<vmem>>
      %dma_start3A_859 = arith.constant 0 : i32
      %dma_start3A_860 = tpu.memref_slice %arg4[%mul3A_852, %dma_start3A_859] : memref<819200x128xf32, #tpu.memory_space<hbm>> -> memref<128x128xf32, #tpu.memory_space<hbm>>
      %dma_start3A_861 = tpu.memref_slice %arg8[%dma_start3A_854] : memref<5x!tpu.dma_semaphore, #tpu.memory_space<semaphore_mem>> -> memref<1x!tpu.dma_semaphore, #tpu.memory_space<semaphore_mem>>
      %dma_start3A_862 = tpu.memref_squeeze %dma_start3A_861 : memref<1x!tpu.dma_semaphore, #tpu.memory_space<semaphore_mem>> -> memref<!tpu.dma_semaphore, #tpu.memory_space<semaphore_mem>>
      %dma_start3A_863 = arith.constant 0 : i32
      %dma_start3A_864 = tpu.memref_slice %arg4[%mul3A_852, %dma_start3A_863] : memref<819200x128xf32, #tpu.memory_space<hbm>> -> memref<128x128xf32, #tpu.memory_space<hbm>>
      %dma_start3A_865 = arith.constant 0 : i32
      %dma_start3A_866 = arith.constant 0 : i32
      %dma_start3A_867 = tpu.memref_slice %arg6[%dma_start3A_853, %dma_start3A_865, %dma_start3A_866] : memref<5x128x128xf32, #tpu.memory_space<vmem>> -> memref<1x128x128xf32, #tpu.memory_space<vmem>>
      %dma_start3A_868 = tpu.memref_squeeze %dma_start3A_867 : memref<1x128x128xf32, #tpu.memory_space<vmem>> -> memref<128x128xf32, #tpu.memory_space<vmem>>
      tpu.enqueue_dma source(%dma_start3A_868 : memref<128x128xf32, #tpu.memory_space<vmem>>) target(%dma_start3A_864 : memref<128x128xf32, #tpu.memory_space<hbm>>) target_semaphore(%dma_start3A_862 : memref<!tpu.dma_semaphore, #tpu.memory_space<semaphore_mem>>)
      %mul3A_869 = arith.constant 128 : i32
      %mul3A_870 = arith.muli %mul3A_2, %mul3A_869 : i32
      %dma_wait3A_871 = arith.constant 4 : i32
      %dma_wait3A_872 = arith.constant 4 : i32
      %dma_wait3A_873 = arith.constant 0 : i32
      %dma_wait3A_874 = arith.constant 0 : i32
      %dma_wait3A_875 = tpu.memref_slice %arg6[%dma_wait3A_871, %dma_wait3A_873, %dma_wait3A_874] : memref<5x128x128xf32, #tpu.memory_space<vmem>> -> memref<1x128x128xf32, #tpu.memory_space<vmem>>
      %dma_wait3A_876 = tpu.memref_squeeze %dma_wait3A_875 : memref<1x128x128xf32, #tpu.memory_space<vmem>> -> memref<128x128xf32, #tpu.memory_space<vmem>>
      %dma_wait3A_877 = arith.constant 0 : i32
      %dma_wait3A_878 = tpu.memref_slice %arg4[%mul3A_870, %dma_wait3A_877] : memref<819200x128xf32, #tpu.memory_space<hbm>> -> memref<128x128xf32, #tpu.memory_space<hbm>>
      %dma_wait3A_879 = tpu.memref_slice %arg8[%dma_wait3A_872] : memref<5x!tpu.dma_semaphore, #tpu.memory_space<semaphore_mem>> -> memref<1x!tpu.dma_semaphore, #tpu.memory_space<semaphore_mem>>
      %dma_wait3A_880 = tpu.memref_squeeze %dma_wait3A_879 : memref<1x!tpu.dma_semaphore, #tpu.memory_space<semaphore_mem>> -> memref<!tpu.dma_semaphore, #tpu.memory_space<semaphore_mem>>
      %dma_wait3A_881 = arith.constant 0 : i32
      %dma_wait3A_882 = tpu.memref_slice %arg4[%mul3A_870, %dma_wait3A_881] : memref<819200x128xf32, #tpu.memory_space<hbm>> -> memref<128x128xf32, #tpu.memory_space<hbm>>
      %dma_wait3A_883 = arith.constant 0 : i32
      %dma_wait3A_884 = arith.constant 0 : i32
      %dma_wait3A_885 = tpu.memref_slice %arg6[%dma_wait3A_871, %dma_wait3A_883, %dma_wait3A_884] : memref<5x128x128xf32, #tpu.memory_space<vmem>> -> memref<1x128x128xf32, #tpu.memory_space<vmem>>
      %dma_wait3A_886 = tpu.memref_squeeze %dma_wait3A_885 : memref<1x128x128xf32, #tpu.memory_space<vmem>> -> memref<128x128xf32, #tpu.memory_space<vmem>>
      tpu.wait_dma2 semaphore(%dma_wait3A_880 : memref<!tpu.dma_semaphore, #tpu.memory_space<semaphore_mem>>) src(%dma_wait3A_886 : memref<128x128xf32, #tpu.memory_space<vmem>>) dst(%dma_wait3A_882 : memref<128x128xf32, #tpu.memory_space<hbm>>)
      %add3A_887 = arith.constant 2 : i32
      %add3A_888 = arith.addi %add3A_834, %add3A_887 : i32
      %dma_start3A_889 = arith.constant 4 : i32
      %dma_start3A_890 = arith.constant 4 : i32
      %dma_start3A_891 = arith.constant 0 : i32
      %dma_start3A_892 = arith.constant 0 : i32
      %dma_start3A_893 = tpu.memref_slice %arg6[%dma_start3A_889, %dma_start3A_891, %dma_start3A_892] : memref<5x128x128xf32, #tpu.memory_space<vmem>> -> memref<1x128x128xf32, #tpu.memory_space<vmem>>
      %dma_start3A_894 = tpu.memref_squeeze %dma_start3A_893 : memref<1x128x128xf32, #tpu.memory_space<vmem>> -> memref<128x128xf32, #tpu.memory_space<vmem>>
      %dma_start3A_895 = arith.constant 0 : i32
      %dma_start3A_896 = tpu.memref_slice %arg5[%add3A_888, %dma_start3A_895] : memref<200x128xi32, #tpu.memory_space<vmem>> -> memref<1x128xi32, #tpu.memory_space<vmem>>
      %dma_start3A_897 = tpu.memref_squeeze %dma_start3A_896 : memref<1x128xi32, #tpu.memory_space<vmem>> -> memref<128xi32, #tpu.memory_space<vmem>>
      %dma_start3A_898 = arith.constant 0 : i32
      %dma_start3A_899 = arith.constant 0 : i32
      %dma_start3A_900 = tpu.memref_slice %arg3[%dma_start3A_898, %dma_start3A_899] : memref<100000x128xf32, #tpu.memory_space<hbm>> -> memref<100000x128xf32, #tpu.memory_space<hbm>>
      %dma_start3A_901 = tpu.memref_slice %arg7[%dma_start3A_890] : memref<5x!tpu.dma_semaphore, #tpu.memory_space<semaphore_mem>> -> memref<1x!tpu.dma_semaphore, #tpu.memory_space<semaphore_mem>>
      %dma_start3A_902 = tpu.memref_squeeze %dma_start3A_901 : memref<1x!tpu.dma_semaphore, #tpu.memory_space<semaphore_mem>> -> memref<!tpu.dma_semaphore, #tpu.memory_space<semaphore_mem>>
      tpu.enqueue_indirect_dma source(%dma_start3A_900 : memref<100000x128xf32, #tpu.memory_space<hbm>>) target(%dma_start3A_894 : memref<128x128xf32, #tpu.memory_space<vmem>>) offsets(%dma_start3A_897 : memref<128xi32, #tpu.memory_space<vmem>>) semaphore(%dma_start3A_902 : memref<!tpu.dma_semaphore, #tpu.memory_space<semaphore_mem>>)
      %mul3A_903 = arith.constant 5 : i32
      %mul3A_904 = arith.muli %scan3A_686, %mul3A_903 : i32
      %add3A_905 = arith.constant 3 : i32
      %add3A_906 = arith.addi %mul3A_904, %add3A_905 : i32
      %dma_wait3A_907 = arith.constant 0 : i32
      %dma_wait3A_908 = arith.constant 3 : i32
      %dma_wait3A_909 = arith.constant 3 : i32
      %dma_wait3A_910 = arith.constant 0 : i32
      %dma_wait3A_911 = arith.constant 0 : i32
      %dma_wait3A_912 = tpu.memref_slice %arg6[%dma_wait3A_908, %dma_wait3A_910, %dma_wait3A_911] : memref<5x128x128xf32, #tpu.memory_space<vmem>> -> memref<1x128x128xf32, #tpu.memory_space<vmem>>
      %dma_wait3A_913 = tpu.memref_squeeze %dma_wait3A_912 : memref<1x128x128xf32, #tpu.memory_space<vmem>> -> memref<128x128xf32, #tpu.memory_space<vmem>>
      %dma_wait3A_914 = arith.constant 0 : i32
      %dma_wait3A_915 = tpu.memref_slice %arg5[%dma_wait3A_907, %dma_wait3A_914] : memref<200x128xi32, #tpu.memory_space<vmem>> -> memref<1x128xi32, #tpu.memory_space<vmem>>
      %dma_wait3A_916 = tpu.memref_squeeze %dma_wait3A_915 : memref<1x128xi32, #tpu.memory_space<vmem>> -> memref<128xi32, #tpu.memory_space<vmem>>
      %dma_wait3A_917 = arith.constant 0 : i32
      %dma_wait3A_918 = arith.constant 0 : i32
      %dma_wait3A_919 = tpu.memref_slice %arg3[%dma_wait3A_917, %dma_wait3A_918] : memref<100000x128xf32, #tpu.memory_space<hbm>> -> memref<100000x128xf32, #tpu.memory_space<hbm>>
      %dma_wait3A_920 = tpu.memref_slice %arg7[%dma_wait3A_909] : memref<5x!tpu.dma_semaphore, #tpu.memory_space<semaphore_mem>> -> memref<1x!tpu.dma_semaphore, #tpu.memory_space<semaphore_mem>>
      %dma_wait3A_921 = tpu.memref_squeeze %dma_wait3A_920 : memref<1x!tpu.dma_semaphore, #tpu.memory_space<semaphore_mem>> -> memref<!tpu.dma_semaphore, #tpu.memory_space<semaphore_mem>>
      tpu.wait_indirect_dma semaphore(%dma_wait3A_921 : memref<!tpu.dma_semaphore, #tpu.memory_space<semaphore_mem>>) src(%dma_wait3A_919 : memref<100000x128xf32, #tpu.memory_space<hbm>>) dst(%dma_wait3A_913 : memref<128x128xf32, #tpu.memory_space<vmem>>)
      %add3A_922 = arith.addi %mul3A_2, %add3A_906 : i32
      %mul3A_923 = arith.constant 128 : i32
      %mul3A_924 = arith.muli %add3A_922, %mul3A_923 : i32
      %dma_start3A_925 = arith.constant 3 : i32
      %dma_start3A_926 = arith.constant 3 : i32
      %dma_start3A_927 = arith.constant 0 : i32
      %dma_start3A_928 = arith.constant 0 : i32
      %dma_start3A_929 = tpu.memref_slice %arg6[%dma_start3A_925, %dma_start3A_927, %dma_start3A_928] : memref<5x128x128xf32, #tpu.memory_space<vmem>> -> memref<1x128x128xf32, #tpu.memory_space<vmem>>
      %dma_start3A_930 = tpu.memref_squeeze %dma_start3A_929 : memref<1x128x128xf32, #tpu.memory_space<vmem>> -> memref<128x128xf32, #tpu.memory_space<vmem>>
      %dma_start3A_931 = arith.constant 0 : i32
      %dma_start3A_932 = tpu.memref_slice %arg4[%mul3A_924, %dma_start3A_931] : memref<819200x128xf32, #tpu.memory_space<hbm>> -> memref<128x128xf32, #tpu.memory_space<hbm>>
      %dma_start3A_933 = tpu.memref_slice %arg8[%dma_start3A_926] : memref<5x!tpu.dma_semaphore, #tpu.memory_space<semaphore_mem>> -> memref<1x!tpu.dma_semaphore, #tpu.memory_space<semaphore_mem>>
      %dma_start3A_934 = tpu.memref_squeeze %dma_start3A_933 : memref<1x!tpu.dma_semaphore, #tpu.memory_space<semaphore_mem>> -> memref<!tpu.dma_semaphore, #tpu.memory_space<semaphore_mem>>
      %dma_start3A_935 = arith.constant 0 : i32
      %dma_start3A_936 = tpu.memref_slice %arg4[%mul3A_924, %dma_start3A_935] : memref<819200x128xf32, #tpu.memory_space<hbm>> -> memref<128x128xf32, #tpu.memory_space<hbm>>
      %dma_start3A_937 = arith.constant 0 : i32
      %dma_start3A_938 = arith.constant 0 : i32
      %dma_start3A_939 = tpu.memref_slice %arg6[%dma_start3A_925, %dma_start3A_937, %dma_start3A_938] : memref<5x128x128xf32, #tpu.memory_space<vmem>> -> memref<1x128x128xf32, #tpu.memory_space<vmem>>
      %dma_start3A_940 = tpu.memref_squeeze %dma_start3A_939 : memref<1x128x128xf32, #tpu.memory_space<vmem>> -> memref<128x128xf32, #tpu.memory_space<vmem>>
      tpu.enqueue_dma source(%dma_start3A_940 : memref<128x128xf32, #tpu.memory_space<vmem>>) target(%dma_start3A_936 : memref<128x128xf32, #tpu.memory_space<hbm>>) target_semaphore(%dma_start3A_934 : memref<!tpu.dma_semaphore, #tpu.memory_space<semaphore_mem>>)
      %mul3A_941 = arith.constant 128 : i32
      %mul3A_942 = arith.muli %mul3A_2, %mul3A_941 : i32
      %dma_wait3A_943 = arith.constant 0 : i32
      %dma_wait3A_944 = arith.constant 0 : i32
      %dma_wait3A_945 = arith.constant 0 : i32
      %dma_wait3A_946 = arith.constant 0 : i32
      %dma_wait3A_947 = tpu.memref_slice %arg6[%dma_wait3A_943, %dma_wait3A_945, %dma_wait3A_946] : memref<5x128x128xf32, #tpu.memory_space<vmem>> -> memref<1x128x128xf32, #tpu.memory_space<vmem>>
      %dma_wait3A_948 = tpu.memref_squeeze %dma_wait3A_947 : memref<1x128x128xf32, #tpu.memory_space<vmem>> -> memref<128x128xf32, #tpu.memory_space<vmem>>
      %dma_wait3A_949 = arith.constant 0 : i32
      %dma_wait3A_950 = tpu.memref_slice %arg4[%mul3A_942, %dma_wait3A_949] : memref<819200x128xf32, #tpu.memory_space<hbm>> -> memref<128x128xf32, #tpu.memory_space<hbm>>
      %dma_wait3A_951 = tpu.memref_slice %arg8[%dma_wait3A_944] : memref<5x!tpu.dma_semaphore, #tpu.memory_space<semaphore_mem>> -> memref<1x!tpu.dma_semaphore, #tpu.memory_space<semaphore_mem>>
      %dma_wait3A_952 = tpu.memref_squeeze %dma_wait3A_951 : memref<1x!tpu.dma_semaphore, #tpu.memory_space<semaphore_mem>> -> memref<!tpu.dma_semaphore, #tpu.memory_space<semaphore_mem>>
      %dma_wait3A_953 = arith.constant 0 : i32
      %dma_wait3A_954 = tpu.memref_slice %arg4[%mul3A_942, %dma_wait3A_953] : memref<819200x128xf32, #tpu.memory_space<hbm>> -> memref<128x128xf32, #tpu.memory_space<hbm>>
      %dma_wait3A_955 = arith.constant 0 : i32
      %dma_wait3A_956 = arith.constant 0 : i32
      %dma_wait3A_957 = tpu.memref_slice %arg6[%dma_wait3A_943, %dma_wait3A_955, %dma_wait3A_956] : memref<5x128x128xf32, #tpu.memory_space<vmem>> -> memref<1x128x128xf32, #tpu.memory_space<vmem>>
      %dma_wait3A_958 = tpu.memref_squeeze %dma_wait3A_957 : memref<1x128x128xf32, #tpu.memory_space<vmem>> -> memref<128x128xf32, #tpu.memory_space<vmem>>
      tpu.wait_dma2 semaphore(%dma_wait3A_952 : memref<!tpu.dma_semaphore, #tpu.memory_space<semaphore_mem>>) src(%dma_wait3A_958 : memref<128x128xf32, #tpu.memory_space<vmem>>) dst(%dma_wait3A_954 : memref<128x128xf32, #tpu.memory_space<hbm>>)
      %add3A_959 = arith.constant 2 : i32
      %add3A_960 = arith.addi %add3A_906, %add3A_959 : i32
      %dma_start3A_961 = arith.constant 0 : i32
      %dma_start3A_962 = arith.constant 0 : i32
      %dma_start3A_963 = arith.constant 0 : i32
      %dma_start3A_964 = arith.constant 0 : i32
      %dma_start3A_965 = tpu.memref_slice %arg6[%dma_start3A_961, %dma_start3A_963, %dma_start3A_964] : memref<5x128x128xf32, #tpu.memory_space<vmem>> -> memref<1x128x128xf32, #tpu.memory_space<vmem>>
      %dma_start3A_966 = tpu.memref_squeeze %dma_start3A_965 : memref<1x128x128xf32, #tpu.memory_space<vmem>> -> memref<128x128xf32, #tpu.memory_space<vmem>>
      %dma_start3A_967 = arith.constant 0 : i32
      %dma_start3A_968 = tpu.memref_slice %arg5[%add3A_960, %dma_start3A_967] : memref<200x128xi32, #tpu.memory_space<vmem>> -> memref<1x128xi32, #tpu.memory_space<vmem>>
      %dma_start3A_969 = tpu.memref_squeeze %dma_start3A_968 : memref<1x128xi32, #tpu.memory_space<vmem>> -> memref<128xi32, #tpu.memory_space<vmem>>
      %dma_start3A_970 = arith.constant 0 : i32
      %dma_start3A_971 = arith.constant 0 : i32
      %dma_start3A_972 = tpu.memref_slice %arg3[%dma_start3A_970, %dma_start3A_971] : memref<100000x128xf32, #tpu.memory_space<hbm>> -> memref<100000x128xf32, #tpu.memory_space<hbm>>
      %dma_start3A_973 = tpu.memref_slice %arg7[%dma_start3A_962] : memref<5x!tpu.dma_semaphore, #tpu.memory_space<semaphore_mem>> -> memref<1x!tpu.dma_semaphore, #tpu.memory_space<semaphore_mem>>
      %dma_start3A_974 = tpu.memref_squeeze %dma_start3A_973 : memref<1x!tpu.dma_semaphore, #tpu.memory_space<semaphore_mem>> -> memref<!tpu.dma_semaphore, #tpu.memory_space<semaphore_mem>>
      tpu.enqueue_indirect_dma source(%dma_start3A_972 : memref<100000x128xf32, #tpu.memory_space<hbm>>) target(%dma_start3A_966 : memref<128x128xf32, #tpu.memory_space<vmem>>) offsets(%dma_start3A_969 : memref<128xi32, #tpu.memory_space<vmem>>) semaphore(%dma_start3A_974 : memref<!tpu.dma_semaphore, #tpu.memory_space<semaphore_mem>>)
      %mul3A_975 = arith.constant 5 : i32
      %mul3A_976 = arith.muli %scan3A_686, %mul3A_975 : i32
      %add3A_977 = arith.constant 4 : i32
      %add3A_978 = arith.addi %mul3A_976, %add3A_977 : i32
      %dma_wait3A_979 = arith.constant 0 : i32
      %dma_wait3A_980 = arith.constant 4 : i32
      %dma_wait3A_981 = arith.constant 4 : i32
      %dma_wait3A_982 = arith.constant 0 : i32
      %dma_wait3A_983 = arith.constant 0 : i32
      %dma_wait3A_984 = tpu.memref_slice %arg6[%dma_wait3A_980, %dma_wait3A_982, %dma_wait3A_983] : memref<5x128x128xf32, #tpu.memory_space<vmem>> -> memref<1x128x128xf32, #tpu.memory_space<vmem>>
      %dma_wait3A_985 = tpu.memref_squeeze %dma_wait3A_984 : memref<1x128x128xf32, #tpu.memory_space<vmem>> -> memref<128x128xf32, #tpu.memory_space<vmem>>
      %dma_wait3A_986 = arith.constant 0 : i32
      %dma_wait3A_987 = tpu.memref_slice %arg5[%dma_wait3A_979, %dma_wait3A_986] : memref<200x128xi32, #tpu.memory_space<vmem>> -> memref<1x128xi32, #tpu.memory_space<vmem>>
      %dma_wait3A_988 = tpu.memref_squeeze %dma_wait3A_987 : memref<1x128xi32, #tpu.memory_space<vmem>> -> memref<128xi32, #tpu.memory_space<vmem>>
      %dma_wait3A_989 = arith.constant 0 : i32
      %dma_wait3A_990 = arith.constant 0 : i32
      %dma_wait3A_991 = tpu.memref_slice %arg3[%dma_wait3A_989, %dma_wait3A_990] : memref<100000x128xf32, #tpu.memory_space<hbm>> -> memref<100000x128xf32, #tpu.memory_space<hbm>>
      %dma_wait3A_992 = tpu.memref_slice %arg7[%dma_wait3A_981] : memref<5x!tpu.dma_semaphore, #tpu.memory_space<semaphore_mem>> -> memref<1x!tpu.dma_semaphore, #tpu.memory_space<semaphore_mem>>
      %dma_wait3A_993 = tpu.memref_squeeze %dma_wait3A_992 : memref<1x!tpu.dma_semaphore, #tpu.memory_space<semaphore_mem>> -> memref<!tpu.dma_semaphore, #tpu.memory_space<semaphore_mem>>
      tpu.wait_indirect_dma semaphore(%dma_wait3A_993 : memref<!tpu.dma_semaphore, #tpu.memory_space<semaphore_mem>>) src(%dma_wait3A_991 : memref<100000x128xf32, #tpu.memory_space<hbm>>) dst(%dma_wait3A_985 : memref<128x128xf32, #tpu.memory_space<vmem>>)
      %add3A_994 = arith.addi %mul3A_2, %add3A_978 : i32
      %mul3A_995 = arith.constant 128 : i32
      %mul3A_996 = arith.muli %add3A_994, %mul3A_995 : i32
      %dma_start3A_997 = arith.constant 4 : i32
      %dma_start3A_998 = arith.constant 4 : i32
      %dma_start3A_999 = arith.constant 0 : i32
      %dma_start3A_1000 = arith.constant 0 : i32
      %dma_start3A_1001 = tpu.memref_slice %arg6[%dma_start3A_997, %dma_start3A_999, %dma_start3A_1000] : memref<5x128x128xf32, #tpu.memory_space<vmem>> -> memref<1x128x128xf32, #tpu.memory_space<vmem>>
      %dma_start3A_1002 = tpu.memref_squeeze %dma_start3A_1001 : memref<1x128x128xf32, #tpu.memory_space<vmem>> -> memref<128x128xf32, #tpu.memory_space<vmem>>
      %dma_start3A_1003 = arith.constant 0 : i32
      %dma_start3A_1004 = tpu.memref_slice %arg4[%mul3A_996, %dma_start3A_1003] : memref<819200x128xf32, #tpu.memory_space<hbm>> -> memref<128x128xf32, #tpu.memory_space<hbm>>
      %dma_start3A_1005 = tpu.memref_slice %arg8[%dma_start3A_998] : memref<5x!tpu.dma_semaphore, #tpu.memory_space<semaphore_mem>> -> memref<1x!tpu.dma_semaphore, #tpu.memory_space<semaphore_mem>>
      %dma_start3A_1006 = tpu.memref_squeeze %dma_start3A_1005 : memref<1x!tpu.dma_semaphore, #tpu.memory_space<semaphore_mem>> -> memref<!tpu.dma_semaphore, #tpu.memory_space<semaphore_mem>>
      %dma_start3A_1007 = arith.constant 0 : i32
      %dma_start3A_1008 = tpu.memref_slice %arg4[%mul3A_996, %dma_start3A_1007] : memref<819200x128xf32, #tpu.memory_space<hbm>> -> memref<128x128xf32, #tpu.memory_space<hbm>>
      %dma_start3A_1009 = arith.constant 0 : i32
      %dma_start3A_1010 = arith.constant 0 : i32
      %dma_start3A_1011 = tpu.memref_slice %arg6[%dma_start3A_997, %dma_start3A_1009, %dma_start3A_1010] : memref<5x128x128xf32, #tpu.memory_space<vmem>> -> memref<1x128x128xf32, #tpu.memory_space<vmem>>
      %dma_start3A_1012 = tpu.memref_squeeze %dma_start3A_1011 : memref<1x128x128xf32, #tpu.memory_space<vmem>> -> memref<128x128xf32, #tpu.memory_space<vmem>>
      tpu.enqueue_dma source(%dma_start3A_1012 : memref<128x128xf32, #tpu.memory_space<vmem>>) target(%dma_start3A_1008 : memref<128x128xf32, #tpu.memory_space<hbm>>) target_semaphore(%dma_start3A_1006 : memref<!tpu.dma_semaphore, #tpu.memory_space<semaphore_mem>>)
      %mul3A_1013 = arith.constant 128 : i32
      %mul3A_1014 = arith.muli %mul3A_2, %mul3A_1013 : i32
      %dma_wait3A_1015 = arith.constant 1 : i32
      %dma_wait3A_1016 = arith.constant 1 : i32
      %dma_wait3A_1017 = arith.constant 0 : i32
      %dma_wait3A_1018 = arith.constant 0 : i32
      %dma_wait3A_1019 = tpu.memref_slice %arg6[%dma_wait3A_1015, %dma_wait3A_1017, %dma_wait3A_1018] : memref<5x128x128xf32, #tpu.memory_space<vmem>> -> memref<1x128x128xf32, #tpu.memory_space<vmem>>
      %dma_wait3A_1020 = tpu.memref_squeeze %dma_wait3A_1019 : memref<1x128x128xf32, #tpu.memory_space<vmem>> -> memref<128x128xf32, #tpu.memory_space<vmem>>
      %dma_wait3A_1021 = arith.constant 0 : i32
      %dma_wait3A_1022 = tpu.memref_slice %arg4[%mul3A_1014, %dma_wait3A_1021] : memref<819200x128xf32, #tpu.memory_space<hbm>> -> memref<128x128xf32, #tpu.memory_space<hbm>>
      %dma_wait3A_1023 = tpu.memref_slice %arg8[%dma_wait3A_1016] : memref<5x!tpu.dma_semaphore, #tpu.memory_space<semaphore_mem>> -> memref<1x!tpu.dma_semaphore, #tpu.memory_space<semaphore_mem>>
      %dma_wait3A_1024 = tpu.memref_squeeze %dma_wait3A_1023 : memref<1x!tpu.dma_semaphore, #tpu.memory_space<semaphore_mem>> -> memref<!tpu.dma_semaphore, #tpu.memory_space<semaphore_mem>>
      %dma_wait3A_1025 = arith.constant 0 : i32
      %dma_wait3A_1026 = tpu.memref_slice %arg4[%mul3A_1014, %dma_wait3A_1025] : memref<819200x128xf32, #tpu.memory_space<hbm>> -> memref<128x128xf32, #tpu.memory_space<hbm>>
      %dma_wait3A_1027 = arith.constant 0 : i32
      %dma_wait3A_1028 = arith.constant 0 : i32
      %dma_wait3A_1029 = tpu.memref_slice %arg6[%dma_wait3A_1015, %dma_wait3A_1027, %dma_wait3A_1028] : memref<5x128x128xf32, #tpu.memory_space<vmem>> -> memref<1x128x128xf32, #tpu.memory_space<vmem>>
      %dma_wait3A_1030 = tpu.memref_squeeze %dma_wait3A_1029 : memref<1x128x128xf32, #tpu.memory_space<vmem>> -> memref<128x128xf32, #tpu.memory_space<vmem>>
      tpu.wait_dma2 semaphore(%dma_wait3A_1024 : memref<!tpu.dma_semaphore, #tpu.memory_space<semaphore_mem>>) src(%dma_wait3A_1030 : memref<128x128xf32, #tpu.memory_space<vmem>>) dst(%dma_wait3A_1026 : memref<128x128xf32, #tpu.memory_space<hbm>>)
      %add3A_1031 = arith.constant 2 : i32
      %add3A_1032 = arith.addi %add3A_978, %add3A_1031 : i32
      %dma_start3A_1033 = arith.constant 1 : i32
      %dma_start3A_1034 = arith.constant 1 : i32
      %dma_start3A_1035 = arith.constant 0 : i32
      %dma_start3A_1036 = arith.constant 0 : i32
      %dma_start3A_1037 = tpu.memref_slice %arg6[%dma_start3A_1033, %dma_start3A_1035, %dma_start3A_1036] : memref<5x128x128xf32, #tpu.memory_space<vmem>> -> memref<1x128x128xf32, #tpu.memory_space<vmem>>
      %dma_start3A_1038 = tpu.memref_squeeze %dma_start3A_1037 : memref<1x128x128xf32, #tpu.memory_space<vmem>> -> memref<128x128xf32, #tpu.memory_space<vmem>>
      %dma_start3A_1039 = arith.constant 0 : i32
      %dma_start3A_1040 = tpu.memref_slice %arg5[%add3A_1032, %dma_start3A_1039] : memref<200x128xi32, #tpu.memory_space<vmem>> -> memref<1x128xi32, #tpu.memory_space<vmem>>
      %dma_start3A_1041 = tpu.memref_squeeze %dma_start3A_1040 : memref<1x128xi32, #tpu.memory_space<vmem>> -> memref<128xi32, #tpu.memory_space<vmem>>
      %dma_start3A_1042 = arith.constant 0 : i32
      %dma_start3A_1043 = arith.constant 0 : i32
      %dma_start3A_1044 = tpu.memref_slice %arg3[%dma_start3A_1042, %dma_start3A_1043] : memref<100000x128xf32, #tpu.memory_space<hbm>> -> memref<100000x128xf32, #tpu.memory_space<hbm>>
      %dma_start3A_1045 = tpu.memref_slice %arg7[%dma_start3A_1034] : memref<5x!tpu.dma_semaphore, #tpu.memory_space<semaphore_mem>> -> memref<1x!tpu.dma_semaphore, #tpu.memory_space<semaphore_mem>>
      %dma_start3A_1046 = tpu.memref_squeeze %dma_start3A_1045 : memref<1x!tpu.dma_semaphore, #tpu.memory_space<semaphore_mem>> -> memref<!tpu.dma_semaphore, #tpu.memory_space<semaphore_mem>>
      tpu.enqueue_indirect_dma source(%dma_start3A_1044 : memref<100000x128xf32, #tpu.memory_space<hbm>>) target(%dma_start3A_1038 : memref<128x128xf32, #tpu.memory_space<vmem>>) offsets(%dma_start3A_1041 : memref<128xi32, #tpu.memory_space<vmem>>) semaphore(%dma_start3A_1046 : memref<!tpu.dma_semaphore, #tpu.memory_space<semaphore_mem>>)
    }
    %scan3A_321 = arith.constant 38 : i32
    %dma_wait3A_322 = arith.constant 0 : i32
    %dma_wait3A_323 = arith.constant 0 : i32
    %dma_wait3A_324 = arith.constant 0 : i32
    %dma_wait3A_325 = arith.constant 0 : i32
    %dma_wait3A_326 = arith.constant 0 : i32
    %dma_wait3A_327 = tpu.memref_slice %arg6[%dma_wait3A_323, %dma_wait3A_325, %dma_wait3A_326] : memref<5x128x128xf32, #tpu.memory_space<vmem>> -> memref<1x128x128xf32, #tpu.memory_space<vmem>>
    %dma_wait3A_328 = tpu.memref_squeeze %dma_wait3A_327 : memref<1x128x128xf32, #tpu.memory_space<vmem>> -> memref<128x128xf32, #tpu.memory_space<vmem>>
    %dma_wait3A_329 = arith.constant 0 : i32
    %dma_wait3A_330 = tpu.memref_slice %arg5[%dma_wait3A_322, %dma_wait3A_329] : memref<200x128xi32, #tpu.memory_space<vmem>> -> memref<1x128xi32, #tpu.memory_space<vmem>>
    %dma_wait3A_331 = tpu.memref_squeeze %dma_wait3A_330 : memref<1x128xi32, #tpu.memory_space<vmem>> -> memref<128xi32, #tpu.memory_space<vmem>>
    %dma_wait3A_332 = arith.constant 0 : i32
    %dma_wait3A_333 = arith.constant 0 : i32
    %dma_wait3A_334 = tpu.memref_slice %arg3[%dma_wait3A_332, %dma_wait3A_333] : memref<100000x128xf32, #tpu.memory_space<hbm>> -> memref<100000x128xf32, #tpu.memory_space<hbm>>
    %dma_wait3A_335 = tpu.memref_slice %arg7[%dma_wait3A_324] : memref<5x!tpu.dma_semaphore, #tpu.memory_space<semaphore_mem>> -> memref<1x!tpu.dma_semaphore, #tpu.memory_space<semaphore_mem>>
    %dma_wait3A_336 = tpu.memref_squeeze %dma_wait3A_335 : memref<1x!tpu.dma_semaphore, #tpu.memory_space<semaphore_mem>> -> memref<!tpu.dma_semaphore, #tpu.memory_space<semaphore_mem>>
    tpu.wait_indirect_dma semaphore(%dma_wait3A_336 : memref<!tpu.dma_semaphore, #tpu.memory_space<semaphore_mem>>) src(%dma_wait3A_334 : memref<100000x128xf32, #tpu.memory_space<hbm>>) dst(%dma_wait3A_328 : memref<128x128xf32, #tpu.memory_space<vmem>>)
    %add3A_337 = arith.constant 195 : i32
    %add3A_338 = arith.addi %mul3A_2, %add3A_337 : i32
    %mul3A_339 = arith.constant 128 : i32
    %mul3A_340 = arith.muli %add3A_338, %mul3A_339 : i32
    %dma_start3A_341 = arith.constant 0 : i32
    %dma_start3A_342 = arith.constant 0 : i32
    %dma_start3A_343 = arith.constant 0 : i32
    %dma_start3A_344 = arith.constant 0 : i32
    %dma_start3A_345 = tpu.memref_slice %arg6[%dma_start3A_341, %dma_start3A_343, %dma_start3A_344] : memref<5x128x128xf32, #tpu.memory_space<vmem>> -> memref<1x128x128xf32, #tpu.memory_space<vmem>>
    %dma_start3A_346 = tpu.memref_squeeze %dma_start3A_345 : memref<1x128x128xf32, #tpu.memory_space<vmem>> -> memref<128x128xf32, #tpu.memory_space<vmem>>
    %dma_start3A_347 = arith.constant 0 : i32
    %dma_start3A_348 = tpu.memref_slice %arg4[%mul3A_340, %dma_start3A_347] : memref<819200x128xf32, #tpu.memory_space<hbm>> -> memref<128x128xf32, #tpu.memory_space<hbm>>
    %dma_start3A_349 = tpu.memref_slice %arg8[%dma_start3A_342] : memref<5x!tpu.dma_semaphore, #tpu.memory_space<semaphore_mem>> -> memref<1x!tpu.dma_semaphore, #tpu.memory_space<semaphore_mem>>
    %dma_start3A_350 = tpu.memref_squeeze %dma_start3A_349 : memref<1x!tpu.dma_semaphore, #tpu.memory_space<semaphore_mem>> -> memref<!tpu.dma_semaphore, #tpu.memory_space<semaphore_mem>>
    %dma_start3A_351 = arith.constant 0 : i32
    %dma_start3A_352 = tpu.memref_slice %arg4[%mul3A_340, %dma_start3A_351] : memref<819200x128xf32, #tpu.memory_space<hbm>> -> memref<128x128xf32, #tpu.memory_space<hbm>>
    %dma_start3A_353 = arith.constant 0 : i32
    %dma_start3A_354 = arith.constant 0 : i32
    %dma_start3A_355 = tpu.memref_slice %arg6[%dma_start3A_341, %dma_start3A_353, %dma_start3A_354] : memref<5x128x128xf32, #tpu.memory_space<vmem>> -> memref<1x128x128xf32, #tpu.memory_space<vmem>>
    %dma_start3A_356 = tpu.memref_squeeze %dma_start3A_355 : memref<1x128x128xf32, #tpu.memory_space<vmem>> -> memref<128x128xf32, #tpu.memory_space<vmem>>
    tpu.enqueue_dma source(%dma_start3A_356 : memref<128x128xf32, #tpu.memory_space<vmem>>) target(%dma_start3A_352 : memref<128x128xf32, #tpu.memory_space<hbm>>) target_semaphore(%dma_start3A_350 : memref<!tpu.dma_semaphore, #tpu.memory_space<semaphore_mem>>)
    %mul3A_357 = arith.constant 128 : i32
    %mul3A_358 = arith.muli %mul3A_2, %mul3A_357 : i32
    %dma_wait3A_359 = arith.constant 2 : i32
    %dma_wait3A_360 = arith.constant 2 : i32
    %dma_wait3A_361 = arith.constant 0 : i32
    %dma_wait3A_362 = arith.constant 0 : i32
    %dma_wait3A_363 = tpu.memref_slice %arg6[%dma_wait3A_359, %dma_wait3A_361, %dma_wait3A_362] : memref<5x128x128xf32, #tpu.memory_space<vmem>> -> memref<1x128x128xf32, #tpu.memory_space<vmem>>
    %dma_wait3A_364 = tpu.memref_squeeze %dma_wait3A_363 : memref<1x128x128xf32, #tpu.memory_space<vmem>> -> memref<128x128xf32, #tpu.memory_space<vmem>>
    %dma_wait3A_365 = arith.constant 0 : i32
    %dma_wait3A_366 = tpu.memref_slice %arg4[%mul3A_358, %dma_wait3A_365] : memref<819200x128xf32, #tpu.memory_space<hbm>> -> memref<128x128xf32, #tpu.memory_space<hbm>>
    %dma_wait3A_367 = tpu.memref_slice %arg8[%dma_wait3A_360] : memref<5x!tpu.dma_semaphore, #tpu.memory_space<semaphore_mem>> -> memref<1x!tpu.dma_semaphore, #tpu.memory_space<semaphore_mem>>
    %dma_wait3A_368 = tpu.memref_squeeze %dma_wait3A_367 : memref<1x!tpu.dma_semaphore, #tpu.memory_space<semaphore_mem>> -> memref<!tpu.dma_semaphore, #tpu.memory_space<semaphore_mem>>
    %dma_wait3A_369 = arith.constant 0 : i32
    %dma_wait3A_370 = tpu.memref_slice %arg4[%mul3A_358, %dma_wait3A_369] : memref<819200x128xf32, #tpu.memory_space<hbm>> -> memref<128x128xf32, #tpu.memory_space<hbm>>
    %dma_wait3A_371 = arith.constant 0 : i32
    %dma_wait3A_372 = arith.constant 0 : i32
    %dma_wait3A_373 = tpu.memref_slice %arg6[%dma_wait3A_359, %dma_wait3A_371, %dma_wait3A_372] : memref<5x128x128xf32, #tpu.memory_space<vmem>> -> memref<1x128x128xf32, #tpu.memory_space<vmem>>
    %dma_wait3A_374 = tpu.memref_squeeze %dma_wait3A_373 : memref<1x128x128xf32, #tpu.memory_space<vmem>> -> memref<128x128xf32, #tpu.memory_space<vmem>>
    tpu.wait_dma2 semaphore(%dma_wait3A_368 : memref<!tpu.dma_semaphore, #tpu.memory_space<semaphore_mem>>) src(%dma_wait3A_374 : memref<128x128xf32, #tpu.memory_space<vmem>>) dst(%dma_wait3A_370 : memref<128x128xf32, #tpu.memory_space<hbm>>)
    %dma_start3A_375 = arith.constant 197 : i32
    %dma_start3A_376 = arith.constant 2 : i32
    %dma_start3A_377 = arith.constant 2 : i32
    %dma_start3A_378 = arith.constant 0 : i32
    %dma_start3A_379 = arith.constant 0 : i32
    %dma_start3A_380 = tpu.memref_slice %arg6[%dma_start3A_376, %dma_start3A_378, %dma_start3A_379] : memref<5x128x128xf32, #tpu.memory_space<vmem>> -> memref<1x128x128xf32, #tpu.memory_space<vmem>>
    %dma_start3A_381 = tpu.memref_squeeze %dma_start3A_380 : memref<1x128x128xf32, #tpu.memory_space<vmem>> -> memref<128x128xf32, #tpu.memory_space<vmem>>
    %dma_start3A_382 = arith.constant 0 : i32
    %dma_start3A_383 = tpu.memref_slice %arg5[%dma_start3A_375, %dma_start3A_382] : memref<200x128xi32, #tpu.memory_space<vmem>> -> memref<1x128xi32, #tpu.memory_space<vmem>>
    %dma_start3A_384 = tpu.memref_squeeze %dma_start3A_383 : memref<1x128xi32, #tpu.memory_space<vmem>> -> memref<128xi32, #tpu.memory_space<vmem>>
    %dma_start3A_385 = arith.constant 0 : i32
    %dma_start3A_386 = arith.constant 0 : i32
    %dma_start3A_387 = tpu.memref_slice %arg3[%dma_start3A_385, %dma_start3A_386] : memref<100000x128xf32, #tpu.memory_space<hbm>> -> memref<100000x128xf32, #tpu.memory_space<hbm>>
    %dma_start3A_388 = tpu.memref_slice %arg7[%dma_start3A_377] : memref<5x!tpu.dma_semaphore, #tpu.memory_space<semaphore_mem>> -> memref<1x!tpu.dma_semaphore, #tpu.memory_space<semaphore_mem>>
    %dma_start3A_389 = tpu.memref_squeeze %dma_start3A_388 : memref<1x!tpu.dma_semaphore, #tpu.memory_space<semaphore_mem>> -> memref<!tpu.dma_semaphore, #tpu.memory_space<semaphore_mem>>
    tpu.enqueue_indirect_dma source(%dma_start3A_387 : memref<100000x128xf32, #tpu.memory_space<hbm>>) target(%dma_start3A_381 : memref<128x128xf32, #tpu.memory_space<vmem>>) offsets(%dma_start3A_384 : memref<128xi32, #tpu.memory_space<vmem>>) semaphore(%dma_start3A_389 : memref<!tpu.dma_semaphore, #tpu.memory_space<semaphore_mem>>)
    %dma_wait3A_390 = arith.constant 0 : i32
    %dma_wait3A_391 = arith.constant 1 : i32
    %dma_wait3A_392 = arith.constant 1 : i32
    %dma_wait3A_393 = arith.constant 0 : i32
    %dma_wait3A_394 = arith.constant 0 : i32
    %dma_wait3A_395 = tpu.memref_slice %arg6[%dma_wait3A_391, %dma_wait3A_393, %dma_wait3A_394] : memref<5x128x128xf32, #tpu.memory_space<vmem>> -> memref<1x128x128xf32, #tpu.memory_space<vmem>>
    %dma_wait3A_396 = tpu.memref_squeeze %dma_wait3A_395 : memref<1x128x128xf32, #tpu.memory_space<vmem>> -> memref<128x128xf32, #tpu.memory_space<vmem>>
    %dma_wait3A_397 = arith.constant 0 : i32
    %dma_wait3A_398 = tpu.memref_slice %arg5[%dma_wait3A_390, %dma_wait3A_397] : memref<200x128xi32, #tpu.memory_space<vmem>> -> memref<1x128xi32, #tpu.memory_space<vmem>>
    %dma_wait3A_399 = tpu.memref_squeeze %dma_wait3A_398 : memref<1x128xi32, #tpu.memory_space<vmem>> -> memref<128xi32, #tpu.memory_space<vmem>>
    %dma_wait3A_400 = arith.constant 0 : i32
    %dma_wait3A_401 = arith.constant 0 : i32
    %dma_wait3A_402 = tpu.memref_slice %arg3[%dma_wait3A_400, %dma_wait3A_401] : memref<100000x128xf32, #tpu.memory_space<hbm>> -> memref<100000x128xf32, #tpu.memory_space<hbm>>
    %dma_wait3A_403 = tpu.memref_slice %arg7[%dma_wait3A_392] : memref<5x!tpu.dma_semaphore, #tpu.memory_space<semaphore_mem>> -> memref<1x!tpu.dma_semaphore, #tpu.memory_space<semaphore_mem>>
    %dma_wait3A_404 = tpu.memref_squeeze %dma_wait3A_403 : memref<1x!tpu.dma_semaphore, #tpu.memory_space<semaphore_mem>> -> memref<!tpu.dma_semaphore, #tpu.memory_space<semaphore_mem>>
    tpu.wait_indirect_dma semaphore(%dma_wait3A_404 : memref<!tpu.dma_semaphore, #tpu.memory_space<semaphore_mem>>) src(%dma_wait3A_402 : memref<100000x128xf32, #tpu.memory_space<hbm>>) dst(%dma_wait3A_396 : memref<128x128xf32, #tpu.memory_space<vmem>>)
    %add3A_405 = arith.constant 196 : i32
    %add3A_406 = arith.addi %mul3A_2, %add3A_405 : i32
    %mul3A_407 = arith.constant 128 : i32
    %mul3A_408 = arith.muli %add3A_406, %mul3A_407 : i32
    %dma_start3A_409 = arith.constant 1 : i32
    %dma_start3A_410 = arith.constant 1 : i32
    %dma_start3A_411 = arith.constant 0 : i32
    %dma_start3A_412 = arith.constant 0 : i32
    %dma_start3A_413 = tpu.memref_slice %arg6[%dma_start3A_409, %dma_start3A_411, %dma_start3A_412] : memref<5x128x128xf32, #tpu.memory_space<vmem>> -> memref<1x128x128xf32, #tpu.memory_space<vmem>>
    %dma_start3A_414 = tpu.memref_squeeze %dma_start3A_413 : memref<1x128x128xf32, #tpu.memory_space<vmem>> -> memref<128x128xf32, #tpu.memory_space<vmem>>
    %dma_start3A_415 = arith.constant 0 : i32
    %dma_start3A_416 = tpu.memref_slice %arg4[%mul3A_408, %dma_start3A_415] : memref<819200x128xf32, #tpu.memory_space<hbm>> -> memref<128x128xf32, #tpu.memory_space<hbm>>
    %dma_start3A_417 = tpu.memref_slice %arg8[%dma_start3A_410] : memref<5x!tpu.dma_semaphore, #tpu.memory_space<semaphore_mem>> -> memref<1x!tpu.dma_semaphore, #tpu.memory_space<semaphore_mem>>
    %dma_start3A_418 = tpu.memref_squeeze %dma_start3A_417 : memref<1x!tpu.dma_semaphore, #tpu.memory_space<semaphore_mem>> -> memref<!tpu.dma_semaphore, #tpu.memory_space<semaphore_mem>>
    %dma_start3A_419 = arith.constant 0 : i32
    %dma_start3A_420 = tpu.memref_slice %arg4[%mul3A_408, %dma_start3A_419] : memref<819200x128xf32, #tpu.memory_space<hbm>> -> memref<128x128xf32, #tpu.memory_space<hbm>>
    %dma_start3A_421 = arith.constant 0 : i32
    %dma_start3A_422 = arith.constant 0 : i32
    %dma_start3A_423 = tpu.memref_slice %arg6[%dma_start3A_409, %dma_start3A_421, %dma_start3A_422] : memref<5x128x128xf32, #tpu.memory_space<vmem>> -> memref<1x128x128xf32, #tpu.memory_space<vmem>>
    %dma_start3A_424 = tpu.memref_squeeze %dma_start3A_423 : memref<1x128x128xf32, #tpu.memory_space<vmem>> -> memref<128x128xf32, #tpu.memory_space<vmem>>
    tpu.enqueue_dma source(%dma_start3A_424 : memref<128x128xf32, #tpu.memory_space<vmem>>) target(%dma_start3A_420 : memref<128x128xf32, #tpu.memory_space<hbm>>) target_semaphore(%dma_start3A_418 : memref<!tpu.dma_semaphore, #tpu.memory_space<semaphore_mem>>)
    %mul3A_425 = arith.constant 128 : i32
    %mul3A_426 = arith.muli %mul3A_2, %mul3A_425 : i32
    %dma_wait3A_427 = arith.constant 3 : i32
    %dma_wait3A_428 = arith.constant 3 : i32
    %dma_wait3A_429 = arith.constant 0 : i32
    %dma_wait3A_430 = arith.constant 0 : i32
    %dma_wait3A_431 = tpu.memref_slice %arg6[%dma_wait3A_427, %dma_wait3A_429, %dma_wait3A_430] : memref<5x128x128xf32, #tpu.memory_space<vmem>> -> memref<1x128x128xf32, #tpu.memory_space<vmem>>
    %dma_wait3A_432 = tpu.memref_squeeze %dma_wait3A_431 : memref<1x128x128xf32, #tpu.memory_space<vmem>> -> memref<128x128xf32, #tpu.memory_space<vmem>>
    %dma_wait3A_433 = arith.constant 0 : i32
    %dma_wait3A_434 = tpu.memref_slice %arg4[%mul3A_426, %dma_wait3A_433] : memref<819200x128xf32, #tpu.memory_space<hbm>> -> memref<128x128xf32, #tpu.memory_space<hbm>>
    %dma_wait3A_435 = tpu.memref_slice %arg8[%dma_wait3A_428] : memref<5x!tpu.dma_semaphore, #tpu.memory_space<semaphore_mem>> -> memref<1x!tpu.dma_semaphore, #tpu.memory_space<semaphore_mem>>
    %dma_wait3A_436 = tpu.memref_squeeze %dma_wait3A_435 : memref<1x!tpu.dma_semaphore, #tpu.memory_space<semaphore_mem>> -> memref<!tpu.dma_semaphore, #tpu.memory_space<semaphore_mem>>
    %dma_wait3A_437 = arith.constant 0 : i32
    %dma_wait3A_438 = tpu.memref_slice %arg4[%mul3A_426, %dma_wait3A_437] : memref<819200x128xf32, #tpu.memory_space<hbm>> -> memref<128x128xf32, #tpu.memory_space<hbm>>
    %dma_wait3A_439 = arith.constant 0 : i32
    %dma_wait3A_440 = arith.constant 0 : i32
    %dma_wait3A_441 = tpu.memref_slice %arg6[%dma_wait3A_427, %dma_wait3A_439, %dma_wait3A_440] : memref<5x128x128xf32, #tpu.memory_space<vmem>> -> memref<1x128x128xf32, #tpu.memory_space<vmem>>
    %dma_wait3A_442 = tpu.memref_squeeze %dma_wait3A_441 : memref<1x128x128xf32, #tpu.memory_space<vmem>> -> memref<128x128xf32, #tpu.memory_space<vmem>>
    tpu.wait_dma2 semaphore(%dma_wait3A_436 : memref<!tpu.dma_semaphore, #tpu.memory_space<semaphore_mem>>) src(%dma_wait3A_442 : memref<128x128xf32, #tpu.memory_space<vmem>>) dst(%dma_wait3A_438 : memref<128x128xf32, #tpu.memory_space<hbm>>)
    %dma_start3A_443 = arith.constant 198 : i32
    %dma_start3A_444 = arith.constant 3 : i32
    %dma_start3A_445 = arith.constant 3 : i32
    %dma_start3A_446 = arith.constant 0 : i32
    %dma_start3A_447 = arith.constant 0 : i32
    %dma_start3A_448 = tpu.memref_slice %arg6[%dma_start3A_444, %dma_start3A_446, %dma_start3A_447] : memref<5x128x128xf32, #tpu.memory_space<vmem>> -> memref<1x128x128xf32, #tpu.memory_space<vmem>>
    %dma_start3A_449 = tpu.memref_squeeze %dma_start3A_448 : memref<1x128x128xf32, #tpu.memory_space<vmem>> -> memref<128x128xf32, #tpu.memory_space<vmem>>
    %dma_start3A_450 = arith.constant 0 : i32
    %dma_start3A_451 = tpu.memref_slice %arg5[%dma_start3A_443, %dma_start3A_450] : memref<200x128xi32, #tpu.memory_space<vmem>> -> memref<1x128xi32, #tpu.memory_space<vmem>>
    %dma_start3A_452 = tpu.memref_squeeze %dma_start3A_451 : memref<1x128xi32, #tpu.memory_space<vmem>> -> memref<128xi32, #tpu.memory_space<vmem>>
    %dma_start3A_453 = arith.constant 0 : i32
    %dma_start3A_454 = arith.constant 0 : i32
    %dma_start3A_455 = tpu.memref_slice %arg3[%dma_start3A_453, %dma_start3A_454] : memref<100000x128xf32, #tpu.memory_space<hbm>> -> memref<100000x128xf32, #tpu.memory_space<hbm>>
    %dma_start3A_456 = tpu.memref_slice %arg7[%dma_start3A_445] : memref<5x!tpu.dma_semaphore, #tpu.memory_space<semaphore_mem>> -> memref<1x!tpu.dma_semaphore, #tpu.memory_space<semaphore_mem>>
    %dma_start3A_457 = tpu.memref_squeeze %dma_start3A_456 : memref<1x!tpu.dma_semaphore, #tpu.memory_space<semaphore_mem>> -> memref<!tpu.dma_semaphore, #tpu.memory_space<semaphore_mem>>
    tpu.enqueue_indirect_dma source(%dma_start3A_455 : memref<100000x128xf32, #tpu.memory_space<hbm>>) target(%dma_start3A_449 : memref<128x128xf32, #tpu.memory_space<vmem>>) offsets(%dma_start3A_452 : memref<128xi32, #tpu.memory_space<vmem>>) semaphore(%dma_start3A_457 : memref<!tpu.dma_semaphore, #tpu.memory_space<semaphore_mem>>)
    %dma_wait3A_458 = arith.constant 0 : i32
    %dma_wait3A_459 = arith.constant 2 : i32
    %dma_wait3A_460 = arith.constant 2 : i32
    %dma_wait3A_461 = arith.constant 0 : i32
    %dma_wait3A_462 = arith.constant 0 : i32
    %dma_wait3A_463 = tpu.memref_slice %arg6[%dma_wait3A_459, %dma_wait3A_461, %dma_wait3A_462] : memref<5x128x128xf32, #tpu.memory_space<vmem>> -> memref<1x128x128xf32, #tpu.memory_space<vmem>>
    %dma_wait3A_464 = tpu.memref_squeeze %dma_wait3A_463 : memref<1x128x128xf32, #tpu.memory_space<vmem>> -> memref<128x128xf32, #tpu.memory_space<vmem>>
    %dma_wait3A_465 = arith.constant 0 : i32
    %dma_wait3A_466 = tpu.memref_slice %arg5[%dma_wait3A_458, %dma_wait3A_465] : memref<200x128xi32, #tpu.memory_space<vmem>> -> memref<1x128xi32, #tpu.memory_space<vmem>>
    %dma_wait3A_467 = tpu.memref_squeeze %dma_wait3A_466 : memref<1x128xi32, #tpu.memory_space<vmem>> -> memref<128xi32, #tpu.memory_space<vmem>>
    %dma_wait3A_468 = arith.constant 0 : i32
    %dma_wait3A_469 = arith.constant 0 : i32
    %dma_wait3A_470 = tpu.memref_slice %arg3[%dma_wait3A_468, %dma_wait3A_469] : memref<100000x128xf32, #tpu.memory_space<hbm>> -> memref<100000x128xf32, #tpu.memory_space<hbm>>
    %dma_wait3A_471 = tpu.memref_slice %arg7[%dma_wait3A_460] : memref<5x!tpu.dma_semaphore, #tpu.memory_space<semaphore_mem>> -> memref<1x!tpu.dma_semaphore, #tpu.memory_space<semaphore_mem>>
    %dma_wait3A_472 = tpu.memref_squeeze %dma_wait3A_471 : memref<1x!tpu.dma_semaphore, #tpu.memory_space<semaphore_mem>> -> memref<!tpu.dma_semaphore, #tpu.memory_space<semaphore_mem>>
    tpu.wait_indirect_dma semaphore(%dma_wait3A_472 : memref<!tpu.dma_semaphore, #tpu.memory_space<semaphore_mem>>) src(%dma_wait3A_470 : memref<100000x128xf32, #tpu.memory_space<hbm>>) dst(%dma_wait3A_464 : memref<128x128xf32, #tpu.memory_space<vmem>>)
    %add3A_473 = arith.constant 197 : i32
    %add3A_474 = arith.addi %mul3A_2, %add3A_473 : i32
    %mul3A_475 = arith.constant 128 : i32
    %mul3A_476 = arith.muli %add3A_474, %mul3A_475 : i32
    %dma_start3A_477 = arith.constant 2 : i32
    %dma_start3A_478 = arith.constant 2 : i32
    %dma_start3A_479 = arith.constant 0 : i32
    %dma_start3A_480 = arith.constant 0 : i32
    %dma_start3A_481 = tpu.memref_slice %arg6[%dma_start3A_477, %dma_start3A_479, %dma_start3A_480] : memref<5x128x128xf32, #tpu.memory_space<vmem>> -> memref<1x128x128xf32, #tpu.memory_space<vmem>>
    %dma_start3A_482 = tpu.memref_squeeze %dma_start3A_481 : memref<1x128x128xf32, #tpu.memory_space<vmem>> -> memref<128x128xf32, #tpu.memory_space<vmem>>
    %dma_start3A_483 = arith.constant 0 : i32
    %dma_start3A_484 = tpu.memref_slice %arg4[%mul3A_476, %dma_start3A_483] : memref<819200x128xf32, #tpu.memory_space<hbm>> -> memref<128x128xf32, #tpu.memory_space<hbm>>
    %dma_start3A_485 = tpu.memref_slice %arg8[%dma_start3A_478] : memref<5x!tpu.dma_semaphore, #tpu.memory_space<semaphore_mem>> -> memref<1x!tpu.dma_semaphore, #tpu.memory_space<semaphore_mem>>
    %dma_start3A_486 = tpu.memref_squeeze %dma_start3A_485 : memref<1x!tpu.dma_semaphore, #tpu.memory_space<semaphore_mem>> -> memref<!tpu.dma_semaphore, #tpu.memory_space<semaphore_mem>>
    %dma_start3A_487 = arith.constant 0 : i32
    %dma_start3A_488 = tpu.memref_slice %arg4[%mul3A_476, %dma_start3A_487] : memref<819200x128xf32, #tpu.memory_space<hbm>> -> memref<128x128xf32, #tpu.memory_space<hbm>>
    %dma_start3A_489 = arith.constant 0 : i32
    %dma_start3A_490 = arith.constant 0 : i32
    %dma_start3A_491 = tpu.memref_slice %arg6[%dma_start3A_477, %dma_start3A_489, %dma_start3A_490] : memref<5x128x128xf32, #tpu.memory_space<vmem>> -> memref<1x128x128xf32, #tpu.memory_space<vmem>>
    %dma_start3A_492 = tpu.memref_squeeze %dma_start3A_491 : memref<1x128x128xf32, #tpu.memory_space<vmem>> -> memref<128x128xf32, #tpu.memory_space<vmem>>
    tpu.enqueue_dma source(%dma_start3A_492 : memref<128x128xf32, #tpu.memory_space<vmem>>) target(%dma_start3A_488 : memref<128x128xf32, #tpu.memory_space<hbm>>) target_semaphore(%dma_start3A_486 : memref<!tpu.dma_semaphore, #tpu.memory_space<semaphore_mem>>)
    %mul3A_493 = arith.constant 128 : i32
    %mul3A_494 = arith.muli %mul3A_2, %mul3A_493 : i32
    %dma_wait3A_495 = arith.constant 4 : i32
    %dma_wait3A_496 = arith.constant 4 : i32
    %dma_wait3A_497 = arith.constant 0 : i32
    %dma_wait3A_498 = arith.constant 0 : i32
    %dma_wait3A_499 = tpu.memref_slice %arg6[%dma_wait3A_495, %dma_wait3A_497, %dma_wait3A_498] : memref<5x128x128xf32, #tpu.memory_space<vmem>> -> memref<1x128x128xf32, #tpu.memory_space<vmem>>
    %dma_wait3A_500 = tpu.memref_squeeze %dma_wait3A_499 : memref<1x128x128xf32, #tpu.memory_space<vmem>> -> memref<128x128xf32, #tpu.memory_space<vmem>>
    %dma_wait3A_501 = arith.constant 0 : i32
    %dma_wait3A_502 = tpu.memref_slice %arg4[%mul3A_494, %dma_wait3A_501] : memref<819200x128xf32, #tpu.memory_space<hbm>> -> memref<128x128xf32, #tpu.memory_space<hbm>>
    %dma_wait3A_503 = tpu.memref_slice %arg8[%dma_wait3A_496] : memref<5x!tpu.dma_semaphore, #tpu.memory_space<semaphore_mem>> -> memref<1x!tpu.dma_semaphore, #tpu.memory_space<semaphore_mem>>
    %dma_wait3A_504 = tpu.memref_squeeze %dma_wait3A_503 : memref<1x!tpu.dma_semaphore, #tpu.memory_space<semaphore_mem>> -> memref<!tpu.dma_semaphore, #tpu.memory_space<semaphore_mem>>
    %dma_wait3A_505 = arith.constant 0 : i32
    %dma_wait3A_506 = tpu.memref_slice %arg4[%mul3A_494, %dma_wait3A_505] : memref<819200x128xf32, #tpu.memory_space<hbm>> -> memref<128x128xf32, #tpu.memory_space<hbm>>
    %dma_wait3A_507 = arith.constant 0 : i32
    %dma_wait3A_508 = arith.constant 0 : i32
    %dma_wait3A_509 = tpu.memref_slice %arg6[%dma_wait3A_495, %dma_wait3A_507, %dma_wait3A_508] : memref<5x128x128xf32, #tpu.memory_space<vmem>> -> memref<1x128x128xf32, #tpu.memory_space<vmem>>
    %dma_wait3A_510 = tpu.memref_squeeze %dma_wait3A_509 : memref<1x128x128xf32, #tpu.memory_space<vmem>> -> memref<128x128xf32, #tpu.memory_space<vmem>>
    tpu.wait_dma2 semaphore(%dma_wait3A_504 : memref<!tpu.dma_semaphore, #tpu.memory_space<semaphore_mem>>) src(%dma_wait3A_510 : memref<128x128xf32, #tpu.memory_space<vmem>>) dst(%dma_wait3A_506 : memref<128x128xf32, #tpu.memory_space<hbm>>)
    %dma_start3A_511 = arith.constant 199 : i32
    %dma_start3A_512 = arith.constant 4 : i32
    %dma_start3A_513 = arith.constant 4 : i32
    %dma_start3A_514 = arith.constant 0 : i32
    %dma_start3A_515 = arith.constant 0 : i32
    %dma_start3A_516 = tpu.memref_slice %arg6[%dma_start3A_512, %dma_start3A_514, %dma_start3A_515] : memref<5x128x128xf32, #tpu.memory_space<vmem>> -> memref<1x128x128xf32, #tpu.memory_space<vmem>>
    %dma_start3A_517 = tpu.memref_squeeze %dma_start3A_516 : memref<1x128x128xf32, #tpu.memory_space<vmem>> -> memref<128x128xf32, #tpu.memory_space<vmem>>
    %dma_start3A_518 = arith.constant 0 : i32
    %dma_start3A_519 = tpu.memref_slice %arg5[%dma_start3A_511, %dma_start3A_518] : memref<200x128xi32, #tpu.memory_space<vmem>> -> memref<1x128xi32, #tpu.memory_space<vmem>>
    %dma_start3A_520 = tpu.memref_squeeze %dma_start3A_519 : memref<1x128xi32, #tpu.memory_space<vmem>> -> memref<128xi32, #tpu.memory_space<vmem>>
    %dma_start3A_521 = arith.constant 0 : i32
    %dma_start3A_522 = arith.constant 0 : i32
    %dma_start3A_523 = tpu.memref_slice %arg3[%dma_start3A_521, %dma_start3A_522] : memref<100000x128xf32, #tpu.memory_space<hbm>> -> memref<100000x128xf32, #tpu.memory_space<hbm>>
    %dma_start3A_524 = tpu.memref_slice %arg7[%dma_start3A_513] : memref<5x!tpu.dma_semaphore, #tpu.memory_space<semaphore_mem>> -> memref<1x!tpu.dma_semaphore, #tpu.memory_space<semaphore_mem>>
    %dma_start3A_525 = tpu.memref_squeeze %dma_start3A_524 : memref<1x!tpu.dma_semaphore, #tpu.memory_space<semaphore_mem>> -> memref<!tpu.dma_semaphore, #tpu.memory_space<semaphore_mem>>
    tpu.enqueue_indirect_dma source(%dma_start3A_523 : memref<100000x128xf32, #tpu.memory_space<hbm>>) target(%dma_start3A_517 : memref<128x128xf32, #tpu.memory_space<vmem>>) offsets(%dma_start3A_520 : memref<128xi32, #tpu.memory_space<vmem>>) semaphore(%dma_start3A_525 : memref<!tpu.dma_semaphore, #tpu.memory_space<semaphore_mem>>)
    %dma_wait3A_526 = arith.constant 0 : i32
    %dma_wait3A_527 = arith.constant 3 : i32
    %dma_wait3A_528 = arith.constant 3 : i32
    %dma_wait3A_529 = arith.constant 0 : i32
    %dma_wait3A_530 = arith.constant 0 : i32
    %dma_wait3A_531 = tpu.memref_slice %arg6[%dma_wait3A_527, %dma_wait3A_529, %dma_wait3A_530] : memref<5x128x128xf32, #tpu.memory_space<vmem>> -> memref<1x128x128xf32, #tpu.memory_space<vmem>>
    %dma_wait3A_532 = tpu.memref_squeeze %dma_wait3A_531 : memref<1x128x128xf32, #tpu.memory_space<vmem>> -> memref<128x128xf32, #tpu.memory_space<vmem>>
    %dma_wait3A_533 = arith.constant 0 : i32
    %dma_wait3A_534 = tpu.memref_slice %arg5[%dma_wait3A_526, %dma_wait3A_533] : memref<200x128xi32, #tpu.memory_space<vmem>> -> memref<1x128xi32, #tpu.memory_space<vmem>>
    %dma_wait3A_535 = tpu.memref_squeeze %dma_wait3A_534 : memref<1x128xi32, #tpu.memory_space<vmem>> -> memref<128xi32, #tpu.memory_space<vmem>>
    %dma_wait3A_536 = arith.constant 0 : i32
    %dma_wait3A_537 = arith.constant 0 : i32
    %dma_wait3A_538 = tpu.memref_slice %arg3[%dma_wait3A_536, %dma_wait3A_537] : memref<100000x128xf32, #tpu.memory_space<hbm>> -> memref<100000x128xf32, #tpu.memory_space<hbm>>
    %dma_wait3A_539 = tpu.memref_slice %arg7[%dma_wait3A_528] : memref<5x!tpu.dma_semaphore, #tpu.memory_space<semaphore_mem>> -> memref<1x!tpu.dma_semaphore, #tpu.memory_space<semaphore_mem>>
    %dma_wait3A_540 = tpu.memref_squeeze %dma_wait3A_539 : memref<1x!tpu.dma_semaphore, #tpu.memory_space<semaphore_mem>> -> memref<!tpu.dma_semaphore, #tpu.memory_space<semaphore_mem>>
    tpu.wait_indirect_dma semaphore(%dma_wait3A_540 : memref<!tpu.dma_semaphore, #tpu.memory_space<semaphore_mem>>) src(%dma_wait3A_538 : memref<100000x128xf32, #tpu.memory_space<hbm>>) dst(%dma_wait3A_532 : memref<128x128xf32, #tpu.memory_space<vmem>>)
    %add3A_541 = arith.constant 198 : i32
    %add3A_542 = arith.addi %mul3A_2, %add3A_541 : i32
    %mul3A_543 = arith.constant 128 : i32
    %mul3A_544 = arith.muli %add3A_542, %mul3A_543 : i32
    %dma_start3A_545 = arith.constant 3 : i32
    %dma_start3A_546 = arith.constant 3 : i32
    %dma_start3A_547 = arith.constant 0 : i32
    %dma_start3A_548 = arith.constant 0 : i32
    %dma_start3A_549 = tpu.memref_slice %arg6[%dma_start3A_545, %dma_start3A_547, %dma_start3A_548] : memref<5x128x128xf32, #tpu.memory_space<vmem>> -> memref<1x128x128xf32, #tpu.memory_space<vmem>>
    %dma_start3A_550 = tpu.memref_squeeze %dma_start3A_549 : memref<1x128x128xf32, #tpu.memory_space<vmem>> -> memref<128x128xf32, #tpu.memory_space<vmem>>
    %dma_start3A_551 = arith.constant 0 : i32
    %dma_start3A_552 = tpu.memref_slice %arg4[%mul3A_544, %dma_start3A_551] : memref<819200x128xf32, #tpu.memory_space<hbm>> -> memref<128x128xf32, #tpu.memory_space<hbm>>
    %dma_start3A_553 = tpu.memref_slice %arg8[%dma_start3A_546] : memref<5x!tpu.dma_semaphore, #tpu.memory_space<semaphore_mem>> -> memref<1x!tpu.dma_semaphore, #tpu.memory_space<semaphore_mem>>
    %dma_start3A_554 = tpu.memref_squeeze %dma_start3A_553 : memref<1x!tpu.dma_semaphore, #tpu.memory_space<semaphore_mem>> -> memref<!tpu.dma_semaphore, #tpu.memory_space<semaphore_mem>>
    %dma_start3A_555 = arith.constant 0 : i32
    %dma_start3A_556 = tpu.memref_slice %arg4[%mul3A_544, %dma_start3A_555] : memref<819200x128xf32, #tpu.memory_space<hbm>> -> memref<128x128xf32, #tpu.memory_space<hbm>>
    %dma_start3A_557 = arith.constant 0 : i32
    %dma_start3A_558 = arith.constant 0 : i32
    %dma_start3A_559 = tpu.memref_slice %arg6[%dma_start3A_545, %dma_start3A_557, %dma_start3A_558] : memref<5x128x128xf32, #tpu.memory_space<vmem>> -> memref<1x128x128xf32, #tpu.memory_space<vmem>>
    %dma_start3A_560 = tpu.memref_squeeze %dma_start3A_559 : memref<1x128x128xf32, #tpu.memory_space<vmem>> -> memref<128x128xf32, #tpu.memory_space<vmem>>
    tpu.enqueue_dma source(%dma_start3A_560 : memref<128x128xf32, #tpu.memory_space<vmem>>) target(%dma_start3A_556 : memref<128x128xf32, #tpu.memory_space<hbm>>) target_semaphore(%dma_start3A_554 : memref<!tpu.dma_semaphore, #tpu.memory_space<semaphore_mem>>)
    %dma_wait3A_561 = arith.constant 0 : i32
    %dma_wait3A_562 = arith.constant 4 : i32
    %dma_wait3A_563 = arith.constant 4 : i32
    %dma_wait3A_564 = arith.constant 0 : i32
    %dma_wait3A_565 = arith.constant 0 : i32
    %dma_wait3A_566 = tpu.memref_slice %arg6[%dma_wait3A_562, %dma_wait3A_564, %dma_wait3A_565] : memref<5x128x128xf32, #tpu.memory_space<vmem>> -> memref<1x128x128xf32, #tpu.memory_space<vmem>>
    %dma_wait3A_567 = tpu.memref_squeeze %dma_wait3A_566 : memref<1x128x128xf32, #tpu.memory_space<vmem>> -> memref<128x128xf32, #tpu.memory_space<vmem>>
    %dma_wait3A_568 = arith.constant 0 : i32
    %dma_wait3A_569 = tpu.memref_slice %arg5[%dma_wait3A_561, %dma_wait3A_568] : memref<200x128xi32, #tpu.memory_space<vmem>> -> memref<1x128xi32, #tpu.memory_space<vmem>>
    %dma_wait3A_570 = tpu.memref_squeeze %dma_wait3A_569 : memref<1x128xi32, #tpu.memory_space<vmem>> -> memref<128xi32, #tpu.memory_space<vmem>>
    %dma_wait3A_571 = arith.constant 0 : i32
    %dma_wait3A_572 = arith.constant 0 : i32
    %dma_wait3A_573 = tpu.memref_slice %arg3[%dma_wait3A_571, %dma_wait3A_572] : memref<100000x128xf32, #tpu.memory_space<hbm>> -> memref<100000x128xf32, #tpu.memory_space<hbm>>
    %dma_wait3A_574 = tpu.memref_slice %arg7[%dma_wait3A_563] : memref<5x!tpu.dma_semaphore, #tpu.memory_space<semaphore_mem>> -> memref<1x!tpu.dma_semaphore, #tpu.memory_space<semaphore_mem>>
    %dma_wait3A_575 = tpu.memref_squeeze %dma_wait3A_574 : memref<1x!tpu.dma_semaphore, #tpu.memory_space<semaphore_mem>> -> memref<!tpu.dma_semaphore, #tpu.memory_space<semaphore_mem>>
    tpu.wait_indirect_dma semaphore(%dma_wait3A_575 : memref<!tpu.dma_semaphore, #tpu.memory_space<semaphore_mem>>) src(%dma_wait3A_573 : memref<100000x128xf32, #tpu.memory_space<hbm>>) dst(%dma_wait3A_567 : memref<128x128xf32, #tpu.memory_space<vmem>>)
    %add3A_576 = arith.constant 199 : i32
    %add3A_577 = arith.addi %mul3A_2, %add3A_576 : i32
    %mul3A_578 = arith.constant 128 : i32
    %mul3A_579 = arith.muli %add3A_577, %mul3A_578 : i32
    %dma_start3A_580 = arith.constant 4 : i32
    %dma_start3A_581 = arith.constant 4 : i32
    %dma_start3A_582 = arith.constant 0 : i32
    %dma_start3A_583 = arith.constant 0 : i32
    %dma_start3A_584 = tpu.memref_slice %arg6[%dma_start3A_580, %dma_start3A_582, %dma_start3A_583] : memref<5x128x128xf32, #tpu.memory_space<vmem>> -> memref<1x128x128xf32, #tpu.memory_space<vmem>>
    %dma_start3A_585 = tpu.memref_squeeze %dma_start3A_584 : memref<1x128x128xf32, #tpu.memory_space<vmem>> -> memref<128x128xf32, #tpu.memory_space<vmem>>
    %dma_start3A_586 = arith.constant 0 : i32
    %dma_start3A_587 = tpu.memref_slice %arg4[%mul3A_579, %dma_start3A_586] : memref<819200x128xf32, #tpu.memory_space<hbm>> -> memref<128x128xf32, #tpu.memory_space<hbm>>
    %dma_start3A_588 = tpu.memref_slice %arg8[%dma_start3A_581] : memref<5x!tpu.dma_semaphore, #tpu.memory_space<semaphore_mem>> -> memref<1x!tpu.dma_semaphore, #tpu.memory_space<semaphore_mem>>
    %dma_start3A_589 = tpu.memref_squeeze %dma_start3A_588 : memref<1x!tpu.dma_semaphore, #tpu.memory_space<semaphore_mem>> -> memref<!tpu.dma_semaphore, #tpu.memory_space<semaphore_mem>>
    %dma_start3A_590 = arith.constant 0 : i32
    %dma_start3A_591 = tpu.memref_slice %arg4[%mul3A_579, %dma_start3A_590] : memref<819200x128xf32, #tpu.memory_space<hbm>> -> memref<128x128xf32, #tpu.memory_space<hbm>>
    %dma_start3A_592 = arith.constant 0 : i32
    %dma_start3A_593 = arith.constant 0 : i32
    %dma_start3A_594 = tpu.memref_slice %arg6[%dma_start3A_580, %dma_start3A_592, %dma_start3A_593] : memref<5x128x128xf32, #tpu.memory_space<vmem>> -> memref<1x128x128xf32, #tpu.memory_space<vmem>>
    %dma_start3A_595 = tpu.memref_squeeze %dma_start3A_594 : memref<1x128x128xf32, #tpu.memory_space<vmem>> -> memref<128x128xf32, #tpu.memory_space<vmem>>
    tpu.enqueue_dma source(%dma_start3A_595 : memref<128x128xf32, #tpu.memory_space<vmem>>) target(%dma_start3A_591 : memref<128x128xf32, #tpu.memory_space<hbm>>) target_semaphore(%dma_start3A_589 : memref<!tpu.dma_semaphore, #tpu.memory_space<semaphore_mem>>)
    %mul3A_596 = arith.constant 128 : i32
    %mul3A_597 = arith.muli %mul3A_2, %mul3A_596 : i32
    %dma_wait3A_598 = arith.constant 0 : i32
    %dma_wait3A_599 = arith.constant 0 : i32
    %dma_wait3A_600 = arith.constant 0 : i32
    %dma_wait3A_601 = arith.constant 0 : i32
    %dma_wait3A_602 = tpu.memref_slice %arg6[%dma_wait3A_598, %dma_wait3A_600, %dma_wait3A_601] : memref<5x128x128xf32, #tpu.memory_space<vmem>> -> memref<1x128x128xf32, #tpu.memory_space<vmem>>
    %dma_wait3A_603 = tpu.memref_squeeze %dma_wait3A_602 : memref<1x128x128xf32, #tpu.memory_space<vmem>> -> memref<128x128xf32, #tpu.memory_space<vmem>>
    %dma_wait3A_604 = arith.constant 0 : i32
    %dma_wait3A_605 = tpu.memref_slice %arg4[%mul3A_597, %dma_wait3A_604] : memref<819200x128xf32, #tpu.memory_space<hbm>> -> memref<128x128xf32, #tpu.memory_space<hbm>>
    %dma_wait3A_606 = tpu.memref_slice %arg8[%dma_wait3A_599] : memref<5x!tpu.dma_semaphore, #tpu.memory_space<semaphore_mem>> -> memref<1x!tpu.dma_semaphore, #tpu.memory_space<semaphore_mem>>
    %dma_wait3A_607 = tpu.memref_squeeze %dma_wait3A_606 : memref<1x!tpu.dma_semaphore, #tpu.memory_space<semaphore_mem>> -> memref<!tpu.dma_semaphore, #tpu.memory_space<semaphore_mem>>
    %dma_wait3A_608 = arith.constant 0 : i32
    %dma_wait3A_609 = tpu.memref_slice %arg4[%mul3A_597, %dma_wait3A_608] : memref<819200x128xf32, #tpu.memory_space<hbm>> -> memref<128x128xf32, #tpu.memory_space<hbm>>
    %dma_wait3A_610 = arith.constant 0 : i32
    %dma_wait3A_611 = arith.constant 0 : i32
    %dma_wait3A_612 = tpu.memref_slice %arg6[%dma_wait3A_598, %dma_wait3A_610, %dma_wait3A_611] : memref<5x128x128xf32, #tpu.memory_space<vmem>> -> memref<1x128x128xf32, #tpu.memory_space<vmem>>
    %dma_wait3A_613 = tpu.memref_squeeze %dma_wait3A_612 : memref<1x128x128xf32, #tpu.memory_space<vmem>> -> memref<128x128xf32, #tpu.memory_space<vmem>>
    tpu.wait_dma2 semaphore(%dma_wait3A_607 : memref<!tpu.dma_semaphore, #tpu.memory_space<semaphore_mem>>) src(%dma_wait3A_613 : memref<128x128xf32, #tpu.memory_space<vmem>>) dst(%dma_wait3A_609 : memref<128x128xf32, #tpu.memory_space<hbm>>)
    %mul3A_614 = arith.constant 128 : i32
    %mul3A_615 = arith.muli %mul3A_2, %mul3A_614 : i32
    %dma_wait3A_616 = arith.constant 1 : i32
    %dma_wait3A_617 = arith.constant 1 : i32
    %dma_wait3A_618 = arith.constant 0 : i32
    %dma_wait3A_619 = arith.constant 0 : i32
    %dma_wait3A_620 = tpu.memref_slice %arg6[%dma_wait3A_616, %dma_wait3A_618, %dma_wait3A_619] : memref<5x128x128xf32, #tpu.memory_space<vmem>> -> memref<1x128x128xf32, #tpu.memory_space<vmem>>
    %dma_wait3A_621 = tpu.memref_squeeze %dma_wait3A_620 : memref<1x128x128xf32, #tpu.memory_space<vmem>> -> memref<128x128xf32, #tpu.memory_space<vmem>>
    %dma_wait3A_622 = arith.constant 0 : i32
    %dma_wait3A_623 = tpu.memref_slice %arg4[%mul3A_615, %dma_wait3A_622] : memref<819200x128xf32, #tpu.memory_space<hbm>> -> memref<128x128xf32, #tpu.memory_space<hbm>>
    %dma_wait3A_624 = tpu.memref_slice %arg8[%dma_wait3A_617] : memref<5x!tpu.dma_semaphore, #tpu.memory_space<semaphore_mem>> -> memref<1x!tpu.dma_semaphore, #tpu.memory_space<semaphore_mem>>
    %dma_wait3A_625 = tpu.memref_squeeze %dma_wait3A_624 : memref<1x!tpu.dma_semaphore, #tpu.memory_space<semaphore_mem>> -> memref<!tpu.dma_semaphore, #tpu.memory_space<semaphore_mem>>
    %dma_wait3A_626 = arith.constant 0 : i32
    %dma_wait3A_627 = tpu.memref_slice %arg4[%mul3A_615, %dma_wait3A_626] : memref<819200x128xf32, #tpu.memory_space<hbm>> -> memref<128x128xf32, #tpu.memory_space<hbm>>
    %dma_wait3A_628 = arith.constant 0 : i32
    %dma_wait3A_629 = arith.constant 0 : i32
    %dma_wait3A_630 = tpu.memref_slice %arg6[%dma_wait3A_616, %dma_wait3A_628, %dma_wait3A_629] : memref<5x128x128xf32, #tpu.memory_space<vmem>> -> memref<1x128x128xf32, #tpu.memory_space<vmem>>
    %dma_wait3A_631 = tpu.memref_squeeze %dma_wait3A_630 : memref<1x128x128xf32, #tpu.memory_space<vmem>> -> memref<128x128xf32, #tpu.memory_space<vmem>>
    tpu.wait_dma2 semaphore(%dma_wait3A_625 : memref<!tpu.dma_semaphore, #tpu.memory_space<semaphore_mem>>) src(%dma_wait3A_631 : memref<128x128xf32, #tpu.memory_space<vmem>>) dst(%dma_wait3A_627 : memref<128x128xf32, #tpu.memory_space<hbm>>)
    %mul3A_632 = arith.constant 128 : i32
    %mul3A_633 = arith.muli %mul3A_2, %mul3A_632 : i32
    %dma_wait3A_634 = arith.constant 2 : i32
    %dma_wait3A_635 = arith.constant 2 : i32
    %dma_wait3A_636 = arith.constant 0 : i32
    %dma_wait3A_637 = arith.constant 0 : i32
    %dma_wait3A_638 = tpu.memref_slice %arg6[%dma_wait3A_634, %dma_wait3A_636, %dma_wait3A_637] : memref<5x128x128xf32, #tpu.memory_space<vmem>> -> memref<1x128x128xf32, #tpu.memory_space<vmem>>
    %dma_wait3A_639 = tpu.memref_squeeze %dma_wait3A_638 : memref<1x128x128xf32, #tpu.memory_space<vmem>> -> memref<128x128xf32, #tpu.memory_space<vmem>>
    %dma_wait3A_640 = arith.constant 0 : i32
    %dma_wait3A_641 = tpu.memref_slice %arg4[%mul3A_633, %dma_wait3A_640] : memref<819200x128xf32, #tpu.memory_space<hbm>> -> memref<128x128xf32, #tpu.memory_space<hbm>>
    %dma_wait3A_642 = tpu.memref_slice %arg8[%dma_wait3A_635] : memref<5x!tpu.dma_semaphore, #tpu.memory_space<semaphore_mem>> -> memref<1x!tpu.dma_semaphore, #tpu.memory_space<semaphore_mem>>
    %dma_wait3A_643 = tpu.memref_squeeze %dma_wait3A_642 : memref<1x!tpu.dma_semaphore, #tpu.memory_space<semaphore_mem>> -> memref<!tpu.dma_semaphore, #tpu.memory_space<semaphore_mem>>
    %dma_wait3A_644 = arith.constant 0 : i32
    %dma_wait3A_645 = tpu.memref_slice %arg4[%mul3A_633, %dma_wait3A_644] : memref<819200x128xf32, #tpu.memory_space<hbm>> -> memref<128x128xf32, #tpu.memory_space<hbm>>
    %dma_wait3A_646 = arith.constant 0 : i32
    %dma_wait3A_647 = arith.constant 0 : i32
    %dma_wait3A_648 = tpu.memref_slice %arg6[%dma_wait3A_634, %dma_wait3A_646, %dma_wait3A_647] : memref<5x128x128xf32, #tpu.memory_space<vmem>> -> memref<1x128x128xf32, #tpu.memory_space<vmem>>
    %dma_wait3A_649 = tpu.memref_squeeze %dma_wait3A_648 : memref<1x128x128xf32, #tpu.memory_space<vmem>> -> memref<128x128xf32, #tpu.memory_space<vmem>>
    tpu.wait_dma2 semaphore(%dma_wait3A_643 : memref<!tpu.dma_semaphore, #tpu.memory_space<semaphore_mem>>) src(%dma_wait3A_649 : memref<128x128xf32, #tpu.memory_space<vmem>>) dst(%dma_wait3A_645 : memref<128x128xf32, #tpu.memory_space<hbm>>)
    %mul3A_650 = arith.constant 128 : i32
    %mul3A_651 = arith.muli %mul3A_2, %mul3A_650 : i32
    %dma_wait3A_652 = arith.constant 3 : i32
    %dma_wait3A_653 = arith.constant 3 : i32
    %dma_wait3A_654 = arith.constant 0 : i32
    %dma_wait3A_655 = arith.constant 0 : i32
    %dma_wait3A_656 = tpu.memref_slice %arg6[%dma_wait3A_652, %dma_wait3A_654, %dma_wait3A_655] : memref<5x128x128xf32, #tpu.memory_space<vmem>> -> memref<1x128x128xf32, #tpu.memory_space<vmem>>
    %dma_wait3A_657 = tpu.memref_squeeze %dma_wait3A_656 : memref<1x128x128xf32, #tpu.memory_space<vmem>> -> memref<128x128xf32, #tpu.memory_space<vmem>>
    %dma_wait3A_658 = arith.constant 0 : i32
    %dma_wait3A_659 = tpu.memref_slice %arg4[%mul3A_651, %dma_wait3A_658] : memref<819200x128xf32, #tpu.memory_space<hbm>> -> memref<128x128xf32, #tpu.memory_space<hbm>>
    %dma_wait3A_660 = tpu.memref_slice %arg8[%dma_wait3A_653] : memref<5x!tpu.dma_semaphore, #tpu.memory_space<semaphore_mem>> -> memref<1x!tpu.dma_semaphore, #tpu.memory_space<semaphore_mem>>
    %dma_wait3A_661 = tpu.memref_squeeze %dma_wait3A_660 : memref<1x!tpu.dma_semaphore, #tpu.memory_space<semaphore_mem>> -> memref<!tpu.dma_semaphore, #tpu.memory_space<semaphore_mem>>
    %dma_wait3A_662 = arith.constant 0 : i32
    %dma_wait3A_663 = tpu.memref_slice %arg4[%mul3A_651, %dma_wait3A_662] : memref<819200x128xf32, #tpu.memory_space<hbm>> -> memref<128x128xf32, #tpu.memory_space<hbm>>
    %dma_wait3A_664 = arith.constant 0 : i32
    %dma_wait3A_665 = arith.constant 0 : i32
    %dma_wait3A_666 = tpu.memref_slice %arg6[%dma_wait3A_652, %dma_wait3A_664, %dma_wait3A_665] : memref<5x128x128xf32, #tpu.memory_space<vmem>> -> memref<1x128x128xf32, #tpu.memory_space<vmem>>
    %dma_wait3A_667 = tpu.memref_squeeze %dma_wait3A_666 : memref<1x128x128xf32, #tpu.memory_space<vmem>> -> memref<128x128xf32, #tpu.memory_space<vmem>>
    tpu.wait_dma2 semaphore(%dma_wait3A_661 : memref<!tpu.dma_semaphore, #tpu.memory_space<semaphore_mem>>) src(%dma_wait3A_667 : memref<128x128xf32, #tpu.memory_space<vmem>>) dst(%dma_wait3A_663 : memref<128x128xf32, #tpu.memory_space<hbm>>)
    %mul3A_668 = arith.constant 128 : i32
    %mul3A_669 = arith.muli %mul3A_2, %mul3A_668 : i32
    %dma_wait3A_670 = arith.constant 4 : i32
    %dma_wait3A_671 = arith.constant 4 : i32
    %dma_wait3A_672 = arith.constant 0 : i32
    %dma_wait3A_673 = arith.constant 0 : i32
    %dma_wait3A_674 = tpu.memref_slice %arg6[%dma_wait3A_670, %dma_wait3A_672, %dma_wait3A_673] : memref<5x128x128xf32, #tpu.memory_space<vmem>> -> memref<1x128x128xf32, #tpu.memory_space<vmem>>
    %dma_wait3A_675 = tpu.memref_squeeze %dma_wait3A_674 : memref<1x128x128xf32, #tpu.memory_space<vmem>> -> memref<128x128xf32, #tpu.memory_space<vmem>>
    %dma_wait3A_676 = arith.constant 0 : i32
    %dma_wait3A_677 = tpu.memref_slice %arg4[%mul3A_669, %dma_wait3A_676] : memref<819200x128xf32, #tpu.memory_space<hbm>> -> memref<128x128xf32, #tpu.memory_space<hbm>>
    %dma_wait3A_678 = tpu.memref_slice %arg8[%dma_wait3A_671] : memref<5x!tpu.dma_semaphore, #tpu.memory_space<semaphore_mem>> -> memref<1x!tpu.dma_semaphore, #tpu.memory_space<semaphore_mem>>
    %dma_wait3A_679 = tpu.memref_squeeze %dma_wait3A_678 : memref<1x!tpu.dma_semaphore, #tpu.memory_space<semaphore_mem>> -> memref<!tpu.dma_semaphore, #tpu.memory_space<semaphore_mem>>
    %dma_wait3A_680 = arith.constant 0 : i32
    %dma_wait3A_681 = tpu.memref_slice %arg4[%mul3A_669, %dma_wait3A_680] : memref<819200x128xf32, #tpu.memory_space<hbm>> -> memref<128x128xf32, #tpu.memory_space<hbm>>
    %dma_wait3A_682 = arith.constant 0 : i32
    %dma_wait3A_683 = arith.constant 0 : i32
    %dma_wait3A_684 = tpu.memref_slice %arg6[%dma_wait3A_670, %dma_wait3A_682, %dma_wait3A_683] : memref<5x128x128xf32, #tpu.memory_space<vmem>> -> memref<1x128x128xf32, #tpu.memory_space<vmem>>
    %dma_wait3A_685 = tpu.memref_squeeze %dma_wait3A_684 : memref<1x128x128xf32, #tpu.memory_space<vmem>> -> memref<128x128xf32, #tpu.memory_space<vmem>>
    tpu.wait_dma2 semaphore(%dma_wait3A_679 : memref<!tpu.dma_semaphore, #tpu.memory_space<semaphore_mem>>) src(%dma_wait3A_685 : memref<128x128xf32, #tpu.memory_space<vmem>>) dst(%dma_wait3A_681 : memref<128x128xf32, #tpu.memory_space<hbm>>)
    return
  }
}

</mosaic_0001>

<sc_bundles>
// kernel: _embed_lookup.3.cloned.1.call-start
scs
__scs_entry_jumppad:
0x0: {  	(pc) =	sbr.rel $0x88, $3  }
0x1: {  	(tag) =	ssettag $0x0;
	lr =	simm.s32 $0x1  }
0x2: {  	[smem:$0x3F9F] =	sst lr;
	_ =	strace $0xD0000000  }
0x3: {  	_ = 	snop  }
0x4: {  	_ = 	snop  }
0x5: {  	_ = 	snop  }
0x6: {  	_ = 	snop  }
0x7: {  	_ = 	snop  }
__scs_overlays_trampoline_lowered:
0x8: {  	[smem:$0x3FAE] =	sst s0  }
0x9: {  	[smem:$0x3FAF] =	sst s1  }
0xa: {  	[smem:$0x3FB0] =	sst s2  }
0xb: {  	[smem:$0x3FB1] =	sst s3  }
0xc: {  	[smem:$0x3FB2] =	sst s4  }
0xd: {  	[smem:$0x3FB3] =	sst s5  }
0xe: {  	[smem:$0x3FB4] =	sst s6  }
0xf: {  	[smem:$0x3FB5] =	sst s7  }
0x10: {  	[smem:$0x3FB6] =	sst s8  }
0x11: {  	[smem:$0x3FB7] =	sst s9;
	s0 =	simm.s32 @!p0 $0x0  }
0x12: {  	s1 =	sld [smem:$0x3F9D];
	s0 =	simm.s32 @p0 $0x1  }
0x13: {  	[smem:$0x3FB8] =	sst s0;
	s0 =	simm.s32 @!p1 $0x0  }
0x14: {  	s2 =	sld [smem:$0x3F9C];
	s0 =	simm.s32 @p1 $0x1  }
0x15: {  	[smem:$0x3FB9] =	sst s0;
	s0 =	simm.s32 @!p2 $0x0  }
0x16: {  	s3 =	sld [smem:$0x3FDB];
	s0 =	simm.s32 @p2 $0x1  }
0x17: {  	s4 =	simm.s32 $0x1BF5;
	[smem:$0x3FBB] =	sst s0  }
0x18: {  	s0 =	sld [smem:$0x3F9E];
	_ =	swait.ge [sflag:s4], $0x0  }
0x19: {  	s7 =	sld [smem:$0x3F9F]  }
0x1a: {  	s8 =	sadd.s32 $0xFFFFE003, lr  }
0x1b: {  	s9 =	sadd.s32 $0xFFFFFEF7, lr;
	s5 =	simm.s32 $0xFFFFFFFF;
	p2 =	slt.u32 s8, $0xFFFFF086  }
0x1c: {  	p1 =	slt.u32 s9, $0xF7A;
	s5 =	simm.s32 @!p2 $0x0  }
0x1d: {  	s5 =	simm.s32 @p1 $0x1;
	p0 =	seq.s32 s7, s2  }
0x1e: {  	s7 =	smul.u32 @!p0 $0xF7A, s2;
	p2 =	seq.s32 @!p0 s5, $0x0  }
0x1f: {  	s9 =	smul.u32 $0xF7A, s1;
	s8 =	simm.s32 @!p0 $0x1BF5;
	p2 =	por !p2, p0  }
0x20: {  	[sflag:s8] =	ssyncset.s32 @!p0 $0xFFFFF086;
	s6 =	sadd.s32 @!p0 s3, s7;
	s7 =	simm.s32 @!p0 $0x108  }
0x21: {  	s3 =	sadd.s32 s3, s9;
	s6 =	sadd.s32 @!p0 $0x88, s6;
	s7 =	simm.s32 @p2 $0x1082  }
0x22: {  	[simem:s7], [sflag:s8] =	dma.local @!p0 [hbm:s6], $0xF7A  }
0x23: {  	s9 =	sor.u32 $0xD0000000, s2;
	s6 =	simm.s32 $0x108;
	_ =	swait.ge @!p0 [sflag:s8], $0x0  }
0x24: {  	s3 =	sadd.s32 $0x88, s3;
	s6 =	simm.s32 @!p1 $0x1082;
	[sflag:s4] =	ssyncset.s32 $0xFFFFF086  }
0x25: {  	[simem:s6], [sflag:s4] =	dma.local [hbm:s3], $0xF7A  }
0x26: {  	[smem:$0x3F9F] =	sst s1;
	(tag) =	ssettag s2;
	_ =	strace s9  }
0x27: {  	s1 =	sld [smem:$0x3FAF]  }
0x28: {  	s2 =	sld [smem:$0x3FB0]  }
0x29: {  	s4 =	sld [smem:$0x3FB2]  }
0x2a: {  	p0 =	seq.s32 s5, $0x0;
	s5 =	sld [smem:$0x3FB3]  }
0x2b: {  	s6 =	sld [smem:$0x3FB4]  }
0x2c: {  	s7 =	sld [smem:$0x3FB5]  }
0x2d: {  	s3 =	simm.s32 $0x108;
	s8 =	sld [smem:$0x3FB6]  }
0x2e: {  	s3 =	simm.s32 @!p0 $0x1082;
	s9 =	sld [smem:$0x3FB7]  }
0x2f: {  	lr =	sadd.s32 s0, s3;
	s0 =	sld [smem:$0x3FAE]  }
0x30: {  	s3 =	sld [smem:$0x3FB1]  }
0x31: {  	[smem:$0x3FBA] =	sst s10  }
0x32: {  	s10 =	sld [smem:$0x3FB8];
	_ =	sdelay $0x3  }
0x33: {  	p0 =	seq.s32 s10, $0x1;
	s10 =	sld [smem:$0x3FBA];
	_ =	sdelay $0x3  }
0x34: {  	[smem:$0x3FBA] =	sst s10  }
0x35: {  	s10 =	sld [smem:$0x3FB9];
	_ =	sdelay $0x3  }
0x36: {  	p1 =	seq.s32 s10, $0x1;
	s10 =	sld [smem:$0x3FBA];
	_ =	sdelay $0x3  }
0x37: {  	[smem:$0x3FBA] =	sst s10  }
0x38: {  	s10 =	sld [smem:$0x3FBB]  }
0x39: {  	_ = 	snop;
	(pc) =	sbr.ind lr, $3  }
0x3a: {  	_ = 	snop  }
0x3b: {  	_ = 	snop  }
0x3c: {  	p2 =	seq.s32 s10, $0x1;
	s10 =	sld [smem:$0x3FBA]  }
0x3d: {  	_ =	shalt  }
0x3e: {  	_ =	shalt  }
0x3f: {  	_ =	shalt  }
0x40: {  	_ =	shalt  }
0x41: {  	_ =	shalt  }
0x42: {  	_ =	shalt  }
0x43: {  	_ =	shalt  }
0x44: {  	_ =	shalt  }
0x45: {  	_ =	shalt  }
0x46: {  	_ =	shalt  }
0x47: {  	_ =	shalt  }
0x48: {  	_ =	shalt  }
0x49: {  	_ =	shalt  }
0x4a: {  	_ =	shalt  }
0x4b: {  	_ =	shalt  }
0x4c: {  	_ =	shalt  }
0x4d: {  	_ =	shalt  }
0x4e: {  	_ =	shalt  }
0x4f: {  	_ =	shalt  }
0x50: {  	_ =	shalt  }
0x51: {  	_ =	shalt  }
0x52: {  	_ =	shalt  }
0x53: {  	_ =	shalt  }
0x54: {  	_ =	shalt  }
0x55: {  	_ =	shalt  }
0x56: {  	_ =	shalt  }
0x57: {  	_ =	shalt  }
0x58: {  	_ =	shalt  }
0x59: {  	_ =	shalt  }
0x5a: {  	_ =	shalt  }
0x5b: {  	_ =	shalt  }
0x5c: {  	_ =	shalt  }
0x5d: {  	_ =	shalt  }
0x5e: {  	_ =	shalt  }
0x5f: {  	_ =	shalt  }
0x60: {  	_ =	shalt  }
0x61: {  	_ =	shalt  }
0x62: {  	_ =	shalt  }
0x63: {  	_ =	shalt  }
0x64: {  	_ =	shalt  }
0x65: {  	_ =	shalt  }
0x66: {  	_ =	shalt  }
0x67: {  	_ =	shalt  }
0x68: {  	_ =	shalt  }
0x69: {  	_ =	shalt  }
0x6a: {  	_ =	shalt  }
0x6b: {  	_ =	shalt  }
0x6c: {  	_ =	shalt  }
0x6d: {  	_ =	shalt  }
0x6e: {  	_ =	shalt  }
0x6f: {  	_ =	shalt  }
0x70: {  	_ =	shalt  }
0x71: {  	_ =	shalt  }
0x72: {  	_ =	shalt  }
0x73: {  	_ =	shalt  }
0x74: {  	_ =	shalt  }
0x75: {  	_ =	shalt  }
0x76: {  	_ =	shalt  }
0x77: {  	_ =	shalt  }
0x78: {  	_ =	shalt  }
0x79: {  	_ =	shalt  }
0x7a: {  	_ =	shalt  }
0x7b: {  	_ =	shalt  }
0x7c: {  	_ =	shalt  }
0x7d: {  	_ =	shalt  }
0x7e: {  	_ =	shalt  }
0x7f: {  	_ =	shalt  }
0x80: {  	_ =	shalt  }
0x81: {  	_ =	shalt  }
0x82: {  	_ =	shalt  }
0x83: {  	_ =	shalt  }
0x84: {  	_ =	shalt  }
0x85: {  	_ =	shalt  }
0x86: {  	_ =	shalt  }
0x87: {  	_ =	shalt  }
.Lfunc_end0:
.L_simem_size_0:
called_computation_lowered:
.L_overlay_start_0:
0x88: {  	s2 =	sld [smem:$0x3FD9]  }
0x89: {  	s3 =	sld [smem:$0x3FFE];
	_ =	sdelay $0x1  }
0x8a: {  	s1 =	srdreg.scid  }
0x8b: {  	s0 =	sand.u32 $0x1, s1  }
0x8c: {  	s18 =	sshll.u32 s0, $0xA;
	s2 =	sadd.s32 s3, s2  }
0x8d: {  	s2 =	sadd.s32 s2, s18  }
0x8e: {  	[smem:$0x3FC6] =	sst s2  }
0x8f: {  	_ = 	snop  }
0x90: {  	s2 =	sld [smem:$0x3FC9]  }
0x91: {  	s19 =	sld [smem:$0x3FC8]  }
0x92: {  	s4 =	sld [smem:$0x3FD0];
	(tm) =	ssettm $0x1  }
0x93: {  	s5 =	sld [smem:$0x3FFB];
	_ =	sdelay $0x3  }
0x94: {  	_ =	strace s5  }
0x95: {  	s5 =	sld [smem:$0x3FFC];
	_ =	sdelay $0x3  }
0x96: {  	_ =	strace s5  }
0x97: {  	s5 =	sld [smem:$0x3FFD];
	_ =	sdelay $0x3  }
0x98: {  	_ =	strace s5  }
0x99: {  	_ =	strace $0x8FFFFFFF  }
0x9a: {  	s20 =	sld [smem:$0x3FDB];
	_ =	sdelay $0x1  }
0x9b: {  	s6 =	simm.s32 $_scs_section_size  }
0x9c: {  	s7 =	simm.s32 $_size__tile_overlayer_lowered;
	s8 =	simm.s32 $_tile_overlayer_lowered  }
0x9d: {  	s23 =	simm.s32 $0x1BFF;
	s22 =	sshll.u32 s8, $0x1;
	s5 =	sadd.s32 s6, s20  }
0x9e: {  	s9 =	simm.s32 $0x0;
	s21 =	sshll.u32 s7, $0x1;
	s7 =	sadd.s32 s22, s5  }
0x9f: {  	[timem:s9], [sflag:s23] =	dma.local [hbm:s7], s21  }
0xa0: {  	_ =	swait.ge [sflag:s23], s21  }
0xa1: {  	s6 =	ssub.s32 $0x0, s21;
	[sflag:s23] =	ssyncset.done $0x0  }
0xa2: {  	[sflag:s23] =	ssyncadd.s32 s6;
	_ =	sdelay $0x1  }
0xa3: {  	s24 =	simm.s32 $0x1B8B  }
0xa4: {  	_ =	swait.ge [sflag:s24], $0x1  }
0xa5: {  	[sflag:s24] =	ssyncset.done $0x0  }
0xa6: {  	s25 =	simm.s32 $0x1B8E;
	[sflag:s24] =	ssyncadd.s32 $0xFFFFFFFF  }
0xa7: {  	s26 =	simm.s32 $execute0_lowered;
	[smem:$0x3FD2] =	sst s25  }
0xa8: {  	s6 =	sshll.u32 s26, $0x1;
	_ =	strace $0x80000046;
	[dreg:$0x1] =	wrdreg $0xFFFFFFFF  }
0xa9: {  	s28 =	simm.s32 $_size_execute0_lowered;
	s5 =	sadd.s32 s5, s6;
	[dreg:$0x0] =	wrdreg $0x0  }
0xaa: {  	s6 =	sshll.u32 s28, $0x1;
	[dreg:$0x2] =	wrdreg s5  }
0xab: {  	[dreg:$0x3] =	wrdreg s6  }
0xac: {  	[dreg:$0x4] =	wrdreg $0xC0  }
0xad: {  	_ =	task [dreg:s9], $0x5FFFF  }
0xae: {  	[dreg:$0x1] =	wrdreg $0xFFFFFFFF  }
0xaf: {  	[dreg:$0x0] =	wrdreg $0x60  }
0xb0: {  	[dreg:$0x2] =	wrdreg s2  }
0xb1: {  	[dreg:$0x3] =	wrdreg s19  }
0xb2: {  	[dreg:$0x4] =	wrdreg s4  }
0xb3: {  	[dreg:$0x5] =	wrdreg $0x9  }
0xb4: {  	_ =	task.clear_ibuf [dreg:s9], $0x6FFFF;
	_ =	strace $0x90000046  }
0xb5: {  	s29 =	simm.s32 $0x9;
	_ =	strace $0x80000048  }
0xb6: {  	_ =	swait.ge [sflag:s29], $0x1  }
0xb7: {  	[sflag:s29] =	ssyncadd.s32 $0xFFFFFFFF  }
0xb8: {  	_ =	strace $0x90000048  }
0xb9: {  	_ =	sfence  }
0xba: {  	s30 =	sld [smem:$0x0];
	_ =	sdelay $0x2  }
0xbb: {  	s31 =	sshll.u32 s1, $0xD;
	s1 =	sshrl.u32 s1, $0x2  }
0xbc: {  	s3 =	sand.u32 $0x4000, s31;
	s1 =	sadd.s32 s1, s30  }
0xbd: {  	s0 =	sor.u32 s3, s0;
	s1 =	sshll.u32 s1, $0x11  }
0xbe: {  	s0 =	sor.u32 s1, s0  }
0xbf: {  	s0 =	sadd.s32 $0x8F2B, s0  }
0xc0: {  	[sflag:s0] =	ssyncadd.remote.s32 $0x1  }
0xc1: {  	_ =	sfence.sel $0xFFFF  }
0xc2: {  	[dreg:$0x0] =	wrdreg $0xFFFFFFFF;
	(pc) =	sbr.abs _section_cstart, $3  }
0xc3: {  	[dreg:$0x1] =	wrdreg $0xFFFFFFFF  }
0xc4: {  	_ =	task.clear_ibuf [dreg:s9], $0x2FFFF;
	_ =	strace $0x9FFFFFFF  }
0xc5: {  	(tm) =	ssettm $0x7FFFFFFF  }
tec
execute0_lowered:
.L_overlay_start_1:
0x0: {  	(tag) =	ssettag $0x1  }
0x1: {  	s0 =	rddreg [dreg:$0x0]  }
0x2: {  	s2 =	rddreg [dreg:$0x1];
	s1 =	srdreg.scid  }
0x3: {  	s10 =	stileid.u32;
	s3 =	rddreg [dreg:$0x2];
	s4 =	simm.s32 $0x0  }
0x4: {  	s18 =	simm.s32 $0xB;
	s28 =	simm.s32 $0x12400;
	s29 =	simm.s32 $0x3  }
0x5: {  	s1 =	sand.u32 $0x1, s1;
	s5 =	sshll.u32 s10, $0x1;
	s21 =	smul.u32 $0x190, s10  }
0x6: {  	s6 =	sor.u32 s1, s5;
	s19 =	ssub.s32 $0x2, s1;
	s1 =	smul.u32 $0xC8, s1  }
0x7: {  	s31 =	simm.s32 $0x16400;
	s30 =	simm.s32 $0x7;
	s7 =	smul.u32 $0x64000, s6  }
0x8: {  	[smem:$0x7FF] =	sst s4;
	s8 =	sshrl.u32 s19, $0x1;
	s9 =	smul.u32 $0xC80, s6  }
0x9: {  	_ =	strace $0x80000047;
	s6 =	smul.u32 $0x320000, s6;
	s8 =	ssub.s32 s19, s8  }
0xa: {  	s19 =	simm.s32 $0x80;
	s5 =	sadd.s32 s3, s7;
	s0 =	sadd.s32 s0, s9  }
0xb: {  	s6 =	sshrl.u32 s6, $0x3;
	s17 =	smax.u32 s8, $0x1;
	s8 =	simm.s32 $0x0  }
0xc: {  	[dreg:$0x5] =	wrdreg s0;
	s20 =	sadd.s32 $0x800, s5;
	s7 =	sadd.s32 $0x1000, s5  }
0xd: {  	s22 =	sadd.s32 $0x1800, s5;
	s23 =	sadd.s32 $0x2000, s5;
	[dreg:$0x6] =	wrdreg s20  }
0xe: {  	s6 =	sadd.s32 s3, s6;
	s0 =	sadd.s32 s1, s21;
	[dreg:$0x7] =	wrdreg s7  }
0xf: {  	s21 =	simm.s32 $0xA400;
	s1 =	simm.s32 $0x4;
	[dreg:$0x8] =	wrdreg s22  }
0x10: {  	[dreg:$0x9] =	wrdreg s23;
	s24 =	sadd.s32 $0x61800, s6;
	s25 =	sadd.s32 $0x62000, s6  }
0x11: {  	s26 =	sadd.s32 $0x62800, s6;
	s14 =	sadd.s32 $0x63000, s6;
	s15 =	sshll.u32 s0, $0xB  }
0x12: {  	s16 =	sadd.s32 $0x63800, s6;
	s20 =	simm.s32 $0x6400;
	[dreg:$0xa] =	wrdreg s24  }
0x13: {  	s22 =	simm.s32 $0x1;
	s23 =	simm.s32 $0x8;
	[dreg:$0xb] =	wrdreg s25  }
0x14: {  	s6 =	simm.s32 $0x9;
	s7 =	simm.s32 $0xA;
	[dreg:$0xc] =	wrdreg s26  }
0x15: {  	s0 =	sadd.s32 $0x4000, s15;
	s24 =	simm.s32 $0xE400;
	s25 =	simm.s32 $0x2  }
0x16: {  	s26 =	simm.s32 $0x5;
	[dreg:$0x4] =	wrdreg s0;
	s0 =	simm.s32 $0x6  }
.LBB2_1:
0x17: {  	s9 =	rddreg [dreg:$0x5]  }
0x18: {  	[tilespmem:s4], [sflag:$0xB] =	stream.linear.gather [hbm4b:s9+s4], $0x6400, $0x38;
	[tilespmem:$0x1A400] =	vst v63  }
0x19: {  	_ =	swait.ge [sflag:s18], $0x6400  }
0x1a: {  	[sflag:s18] =	ssyncset.done $0x0  }
0x1b: {  	[sflag:s18] =	ssyncadd.s32 $0xFFFF9C00  }
0x1c: {  	[tilespmem:s20], [sflag:$0x1] =	stream.indirect.gather [hbm4b:s2+s19], $0x80, s4, s19, $0xb8;
	[tilespmem:$0x1A400] =	vst v63  }
0x1d: {  	_ = 	snop  }
0x1e: {  	[tilespmem:s21], [sflag:$0x2] =	stream.indirect.gather [hbm4b:s2+s19], $0x80, s19, s19, $0xb8;
	[tilespmem:$0x1A400] =	vst v63  }
0x1f: {  	_ =	swait.ge [sflag:s22], $0x4000  }
0x20: {  	[sflag:s22] =	ssyncset.done $0x0  }
0x21: {  	[sflag:s22] =	ssyncadd.s32 $0xFFFFC000  }
0x22: {  	[hbm4b:s5+s4] =	stream.linear.scatter [tilespmem:s20], [sflag:$0x6], $0x4000, $0x38;
	[tilespmem:$0x1A400] =	vst v63  }
0x23: {  	s10 =	simm.s32 $0x100  }
0x24: {  	[tilespmem:s24], [sflag:$0x3] =	stream.indirect.gather [hbm4b:s2+s19], $0x80, s10, s19, $0xb8;
	[tilespmem:$0x1A400] =	vst v63  }
0x25: {  	_ =	swait.ge [sflag:s25], $0x4000  }
0x26: {  	[sflag:s25] =	ssyncset.done $0x0  }
0x27: {  	s11 =	rddreg [dreg:$0x6];
	[sflag:s25] =	ssyncadd.s32 $0xFFFFC000  }
0x28: {  	[hbm4b:s11+s4] =	stream.linear.scatter [tilespmem:s21], [sflag:$0x7], $0x4000, $0x38;
	[tilespmem:$0x1A400] =	vst v63  }
0x29: {  	s12 =	simm.s32 $0x180  }
0x2a: {  	[tilespmem:s28], [sflag:$0x4] =	stream.indirect.gather [hbm4b:s2+s19], $0x80, s12, s19, $0xb8;
	[tilespmem:$0x1A400] =	vst v63  }
0x2b: {  	_ =	swait.ge [sflag:s29], $0x4000  }
0x2c: {  	[sflag:s29] =	ssyncset.done $0x0  }
0x2d: {  	s13 =	rddreg [dreg:$0x7];
	[sflag:s29] =	ssyncadd.s32 $0xFFFFC000  }
0x2e: {  	[hbm4b:s13+s4] =	stream.linear.scatter [tilespmem:s24], [sflag:$0x8], $0x4000, $0x38;
	[tilespmem:$0x1A400] =	vst v63  }
0x2f: {  	s10 =	simm.s32 $0x200  }
0x30: {  	[tilespmem:s31], [sflag:$0x5] =	stream.indirect.gather [hbm4b:s2+s19], $0x80, s10, s19, $0xb8;
	[tilespmem:$0x1A400] =	vst v63  }
0x31: {  	_ =	swait.ge [sflag:s1], $0x4000  }
0x32: {  	[sflag:s1] =	ssyncset.done $0x0  }
0x33: {  	s11 =	rddreg [dreg:$0x8];
	[sflag:s1] =	ssyncadd.s32 $0xFFFFC000  }
0x34: {  	[hbm4b:s11+s4] =	stream.linear.scatter [tilespmem:s28], [sflag:$0x9], $0x4000, $0x38;
	[tilespmem:$0x1A400] =	vst v63  }
0x35: {  	_ =	swait.ge [sflag:s0], $0x4000  }
0x36: {  	[sflag:s0] =	ssyncset.done $0x0  }
0x37: {  	s12 =	simm.s32 $0x280;
	[sflag:s0] =	ssyncadd.s32 $0xFFFFC000  }
0x38: {  	[tilespmem:s20], [sflag:$0x1] =	stream.indirect.gather [hbm4b:s2+s19], $0x80, s12, s19, $0xb8;
	[tilespmem:$0x1A400] =	vst v63  }
0x39: {  	_ =	swait.ge [sflag:s26], $0x4000  }
0x3a: {  	[sflag:s26] =	ssyncset.done $0x0  }
0x3b: {  	s13 =	rddreg [dreg:$0x9];
	[sflag:s26] =	ssyncadd.s32 $0xFFFFC000  }
0x3c: {  	[hbm4b:s13+s4] =	stream.linear.scatter [tilespmem:s31], [sflag:$0xA], $0x4000, $0x38;
	[tilespmem:$0x1A400] =	vst v63  }
0x3d: {  	_ =	swait.ge [sflag:s30], $0x4000  }
0x3e: {  	[sflag:s30] =	ssyncset.done $0x0  }
0x3f: {  	s10 =	simm.s32 $0x300;
	[sflag:s30] =	ssyncadd.s32 $0xFFFFC000  }
0x40: {  	[tilespmem:s21], [sflag:$0x2] =	stream.indirect.gather [hbm4b:s2+s19], $0x80, s10, s19, $0xb8;
	[tilespmem:$0x1A400] =	vst v63  }
0x41: {  	_ =	swait.ge [sflag:s22], $0x4000  }
0x42: {  	s9 =	sadd.s32 s3, s15;
	[sflag:s22] =	ssyncset.done $0x0  }
0x43: {  	s10 =	sadd.s32 $0x2800, s9;
	[sflag:s22] =	ssyncadd.s32 $0xFFFFC000  }
0x44: {  	[hbm4b:s10+s4] =	stream.linear.scatter [tilespmem:s20], [sflag:$0x6], $0x4000, $0x38;
	[tilespmem:$0x1A400] =	vst v63  }
0x45: {  	_ =	swait.ge [sflag:s23], $0x4000  }
0x46: {  	[sflag:s23] =	ssyncset.done $0x0  }
0x47: {  	s11 =	simm.s32 $0x380;
	[sflag:s23] =	ssyncadd.s32 $0xFFFFC000  }
0x48: {  	[tilespmem:s24], [sflag:$0x3] =	stream.indirect.gather [hbm4b:s2+s19], $0x80, s11, s19, $0xb8;
	[tilespmem:$0x1A400] =	vst v63  }
0x49: {  	_ =	swait.ge [sflag:s25], $0x4000  }
0x4a: {  	[sflag:s25] =	ssyncset.done $0x0  }
0x4b: {  	s12 =	sadd.s32 $0x3000, s9;
	[sflag:s25] =	ssyncadd.s32 $0xFFFFC000  }
0x4c: {  	[hbm4b:s12+s4] =	stream.linear.scatter [tilespmem:s21], [sflag:$0x7], $0x4000, $0x38;
	[tilespmem:$0x1A400] =	vst v63  }
0x4d: {  	_ =	swait.ge [sflag:s6], $0x4000  }
0x4e: {  	[sflag:s6] =	ssyncset.done $0x0  }
0x4f: {  	s13 =	simm.s32 $0x400;
	[sflag:s6] =	ssyncadd.s32 $0xFFFFC000  }
0x50: {  	[tilespmem:s28], [sflag:$0x4] =	stream.indirect.gather [hbm4b:s2+s19], $0x80, s13, s19, $0xb8;
	[tilespmem:$0x1A400] =	vst v63  }
0x51: {  	_ =	swait.ge [sflag:s29], $0x4000  }
0x52: {  	[sflag:s29] =	ssyncset.done $0x0  }
0x53: {  	s9 =	sadd.s32 $0x3800, s9;
	[sflag:s29] =	ssyncadd.s32 $0xFFFFC000  }
0x54: {  	[hbm4b:s9+s4] =	stream.linear.scatter [tilespmem:s24], [sflag:$0x8], $0x4000, $0x38;
	[tilespmem:$0x1A400] =	vst v63  }
0x55: {  	_ =	swait.ge [sflag:s7], $0x4000  }
0x56: {  	[sflag:s7] =	ssyncset.done $0x0  }
0x57: {  	s11 =	simm.s32 $0x480;
	[sflag:s7] =	ssyncadd.s32 $0xFFFFC000  }
0x58: {  	[tilespmem:s31], [sflag:$0x5] =	stream.indirect.gather [hbm4b:s2+s19], $0x80, s11, s19, $0xb8;
	[tilespmem:$0x1A400] =	vst v63  }
0x59: {  	_ =	swait.ge [sflag:s1], $0x4000  }
0x5a: {  	s12 =	rddreg [dreg:$0x4];
	[sflag:s1] =	ssyncset.done $0x0  }
0x5b: {  	[sflag:s1] =	ssyncadd.s32 $0xFFFFC000;
	s9 =	sadd.s32 s3, s12  }
0x5c: {  	[hbm4b:s9+s4] =	stream.linear.scatter [tilespmem:s28], [sflag:$0x9], $0x4000, $0x38;
	[tilespmem:$0x1A400] =	vst v63  }
0x5d: {  	_ =	swait.ge [sflag:s0], $0x4000  }
0x5e: {  	[sflag:s0] =	ssyncset.done $0x0  }
0x5f: {  	s13 =	simm.s32 $0x500;
	[sflag:s0] =	ssyncadd.s32 $0xFFFFC000  }
0x60: {  	[tilespmem:s20], [sflag:$0x1] =	stream.indirect.gather [hbm4b:s2+s19], $0x80, s13, s19, $0xb8;
	[tilespmem:$0x1A400] =	vst v63  }
0x61: {  	_ =	swait.ge [sflag:s26], $0x4000  }
0x62: {  	[sflag:s26] =	ssyncset.done $0x0  }
0x63: {  	s9 =	sadd.s32 $0x800, s9;
	[sflag:s26] =	ssyncadd.s32 $0xFFFFC000  }
0x64: {  	[hbm4b:s9+s4] =	stream.linear.scatter [tilespmem:s31], [sflag:$0xA], $0x4000, $0x38;
	[tilespmem:$0x1A400] =	vst v63  }
0x65: {  	_ =	swait.ge [sflag:s30], $0x4000  }
0x66: {  	s10 =	sadd.s32 $0x2800, s3;
	[sflag:s30] =	ssyncset.done $0x0  }
0x67: {  	s11 =	simm.s32 $0x580;
	s9 =	simm.s32 $0xA00;
	[sflag:s30] =	ssyncadd.s32 $0xFFFFC000  }
.LBB2_2:
0x68: {  	[tilespmem:s21], [sflag:$0x2] =	stream.indirect.gather [hbm4b:s2+s19], $0x80, s11, s19, $0xb8;
	[tilespmem:$0x1A400] =	vst v63  }
0x69: {  	_ =	swait.ge [sflag:s22], $0x4000  }
0x6a: {  	s12 =	sadd.s32 s10, s15;
	[sflag:s22] =	ssyncset.done $0x0  }
0x6b: {  	s13 =	sadd.s32 $0x2800, s12;
	[sflag:s22] =	ssyncadd.s32 $0xFFFFC000  }
0x6c: {  	[hbm4b:s13+s4] =	stream.linear.scatter [tilespmem:s20], [sflag:$0x6], $0x4000, $0x38;
	[tilespmem:$0x1A400] =	vst v63  }
0x6d: {  	s11 =	smov.u32 s9;
	_ =	swait.ge [sflag:s23], $0x4000  }
0x6e: {  	s11 =	sshra.s32 s11, $0x2;
	[sflag:s23] =	ssyncset.done $0x0  }
0x6f: {  	s13 =	sadd.s32 $0x380, s11;
	[sflag:s23] =	ssyncadd.s32 $0xFFFFC000  }
0x70: {  	[tilespmem:s24], [sflag:$0x3] =	stream.indirect.gather [hbm4b:s2+s19], $0x80, s13, s19, $0xb8;
	[tilespmem:$0x1A400] =	vst v63  }
0x71: {  	_ =	swait.ge [sflag:s25], $0x4000  }
0x72: {  	[sflag:s25] =	ssyncset.done $0x0  }
0x73: {  	s13 =	sadd.s32 $0x3000, s12;
	[sflag:s25] =	ssyncadd.s32 $0xFFFFC000  }
0x74: {  	[hbm4b:s13+s4] =	stream.linear.scatter [tilespmem:s21], [sflag:$0x7], $0x4000, $0x38;
	[tilespmem:$0x1A400] =	vst v63  }
0x75: {  	_ =	swait.ge [sflag:s6], $0x4000  }
0x76: {  	[sflag:s6] =	ssyncset.done $0x0  }
0x77: {  	s13 =	sadd.s32 $0x400, s11;
	[sflag:s6] =	ssyncadd.s32 $0xFFFFC000  }
0x78: {  	[tilespmem:s28], [sflag:$0x4] =	stream.indirect.gather [hbm4b:s2+s19], $0x80, s13, s19, $0xb8;
	[tilespmem:$0x1A400] =	vst v63  }
0x79: {  	_ =	swait.ge [sflag:s29], $0x4000  }
0x7a: {  	[sflag:s29] =	ssyncset.done $0x0  }
0x7b: {  	s12 =	sadd.s32 $0x3800, s12;
	[sflag:s29] =	ssyncadd.s32 $0xFFFFC000  }
0x7c: {  	[hbm4b:s12+s4] =	stream.linear.scatter [tilespmem:s24], [sflag:$0x8], $0x4000, $0x38;
	[tilespmem:$0x1A400] =	vst v63  }
0x7d: {  	_ =	swait.ge [sflag:s7], $0x4000  }
0x7e: {  	[sflag:s7] =	ssyncset.done $0x0  }
0x7f: {  	s13 =	sadd.s32 $0x480, s11;
	[sflag:s7] =	ssyncadd.s32 $0xFFFFC000  }
0x80: {  	[tilespmem:s31], [sflag:$0x5] =	stream.indirect.gather [hbm4b:s2+s19], $0x80, s13, s19, $0xb8;
	[tilespmem:$0x1A400] =	vst v63  }
0x81: {  	_ =	swait.ge [sflag:s1], $0x4000  }
0x82: {  	s13 =	rddreg [dreg:$0x4];
	[sflag:s1] =	ssyncset.done $0x0  }
0x83: {  	[sflag:s1] =	ssyncadd.s32 $0xFFFFC000;
	s12 =	sadd.s32 s10, s13  }
0x84: {  	[hbm4b:s12+s4] =	stream.linear.scatter [tilespmem:s28], [sflag:$0x9], $0x4000, $0x38;
	[tilespmem:$0x1A400] =	vst v63  }
0x85: {  	_ =	swait.ge [sflag:s0], $0x4000  }
0x86: {  	[sflag:s0] =	ssyncset.done $0x0  }
0x87: {  	s13 =	sadd.s32 $0x500, s11;
	[sflag:s0] =	ssyncadd.s32 $0xFFFFC000  }
0x88: {  	[tilespmem:s20], [sflag:$0x1] =	stream.indirect.gather [hbm4b:s2+s19], $0x80, s13, s19, $0xb8;
	[tilespmem:$0x1A400] =	vst v63  }
0x89: {  	_ =	swait.ge [sflag:s26], $0x4000  }
0x8a: {  	p0 =	sne.s32 s9, $0x17200;
	[sflag:s26] =	ssyncset.done $0x0  }
.Ltmp0:
0x8b: {  	s12 =	sadd.s32 $0x800, s12;
	[sflag:s26] =	ssyncadd.s32 $0xFFFFC000;
	(pc) =	sbr.rel @p0 .LBB2_2-.Ltmp0, $4  }
0x8c: {  	[hbm4b:s12+s4] =	stream.linear.scatter [tilespmem:s31], [sflag:$0xA], $0x4000, $0x38;
	[tilespmem:$0x1A400] =	vst v63  }
0x8d: {  	_ =	swait.ge [sflag:s30], $0x4000  }
0x8e: {  	s9 =	sadd.s32 $0xA00, s9;
	[sflag:s30] =	ssyncset.done $0x0  }
0x8f: {  	s11 =	sadd.s32 $0x580, s11;
	s10 =	sadd.s32 $0x2800, s10;
	[sflag:s30] =	ssyncadd.s32 $0xFFFFC000  }
0x90: {  	[tilespmem:s21], [sflag:$0x2] =	stream.indirect.gather [hbm4b:s2+s19], $0x80, s11, s19, $0xb8;
	[tilespmem:$0x1A400] =	vst v63  }
0x91: {  	_ =	swait.ge [sflag:s22], $0x4000  }
0x92: {  	[sflag:s22] =	ssyncset.done $0x0  }
0x93: {  	s9 =	rddreg [dreg:$0xa];
	[sflag:s22] =	ssyncadd.s32 $0xFFFFC000  }
0x94: {  	[hbm4b:s9+s4] =	stream.linear.scatter [tilespmem:s20], [sflag:$0x6], $0x4000, $0x38;
	[tilespmem:$0x1A400] =	vst v63  }
0x95: {  	_ =	swait.ge [sflag:s23], $0x4000  }
0x96: {  	[sflag:s23] =	ssyncset.done $0x0  }
0x97: {  	s13 =	simm.s32 $0x6280;
	[sflag:s23] =	ssyncadd.s32 $0xFFFFC000  }
0x98: {  	[tilespmem:s24], [sflag:$0x3] =	stream.indirect.gather [hbm4b:s2+s19], $0x80, s13, s19, $0xb8;
	[tilespmem:$0x1A400] =	vst v63  }
0x99: {  	_ =	swait.ge [sflag:s25], $0x4000  }
0x9a: {  	[sflag:s25] =	ssyncset.done $0x0  }
0x9b: {  	s10 =	rddreg [dreg:$0xb];
	[sflag:s25] =	ssyncadd.s32 $0xFFFFC000  }
0x9c: {  	[hbm4b:s10+s4] =	stream.linear.scatter [tilespmem:s21], [sflag:$0x7], $0x4000, $0x38;
	[tilespmem:$0x1A400] =	vst v63  }
0x9d: {  	_ =	swait.ge [sflag:s6], $0x4000  }
0x9e: {  	[sflag:s6] =	ssyncset.done $0x0  }
0x9f: {  	s11 =	simm.s32 $0x6300;
	[sflag:s6] =	ssyncadd.s32 $0xFFFFC000  }
0xa0: {  	[tilespmem:s28], [sflag:$0x4] =	stream.indirect.gather [hbm4b:s2+s19], $0x80, s11, s19, $0xb8;
	[tilespmem:$0x1A400] =	vst v63  }
0xa1: {  	_ =	swait.ge [sflag:s29], $0x4000  }
0xa2: {  	[sflag:s29] =	ssyncset.done $0x0  }
0xa3: {  	s12 =	rddreg [dreg:$0xc];
	[sflag:s29] =	ssyncadd.s32 $0xFFFFC000  }
0xa4: {  	[hbm4b:s12+s4] =	stream.linear.scatter [tilespmem:s24], [sflag:$0x8], $0x4000, $0x38;
	[tilespmem:$0x1A400] =	vst v63  }
0xa5: {  	_ =	swait.ge [sflag:s7], $0x4000  }
0xa6: {  	[sflag:s7] =	ssyncset.done $0x0  }
0xa7: {  	s13 =	simm.s32 $0x6380;
	[sflag:s7] =	ssyncadd.s32 $0xFFFFC000  }
0xa8: {  	[tilespmem:s31], [sflag:$0x5] =	stream.indirect.gather [hbm4b:s2+s19], $0x80, s13, s19, $0xb8;
	[tilespmem:$0x1A400] =	vst v63  }
0xa9: {  	_ =	swait.ge [sflag:s1], $0x4000  }
0xaa: {  	[sflag:s1] =	ssyncset.done $0x0  }
0xab: {  	[sflag:s1] =	ssyncadd.s32 $0xFFFFC000  }
0xac: {  	[hbm4b:s14+s4] =	stream.linear.scatter [tilespmem:s28], [sflag:$0x9], $0x4000, $0x38;
	[tilespmem:$0x1A400] =	vst v63  }
0xad: {  	_ =	swait.ge [sflag:s26], $0x4000  }
0xae: {  	[sflag:s26] =	ssyncset.done $0x0  }
0xaf: {  	[sflag:s26] =	ssyncadd.s32 $0xFFFFC000  }
0xb0: {  	[hbm4b:s16+s4] =	stream.linear.scatter [tilespmem:s31], [sflag:$0xA], $0x4000, $0x38;
	[tilespmem:$0x1A400] =	vst v63  }
0xb1: {  	_ =	swait.ge [sflag:s0], $0x4000  }
0xb2: {  	[sflag:s0] =	ssyncset.done $0x0  }
0xb3: {  	[sflag:s0] =	ssyncadd.s32 $0xFFFFC000  }
0xb4: {  	_ =	swait.ge [sflag:s30], $0x4000  }
0xb5: {  	[sflag:s30] =	ssyncset.done $0x0  }
0xb6: {  	[sflag:s30] =	ssyncadd.s32 $0xFFFFC000  }
0xb7: {  	_ =	swait.ge [sflag:s23], $0x4000  }
0xb8: {  	[sflag:s23] =	ssyncset.done $0x0  }
0xb9: {  	s8 =	sadd.s32 $0x1, s8;
	[sflag:s23] =	ssyncadd.s32 $0xFFFFC000  }
0xba: {  	p0 =	sne.s32 s8, s17;
	_ =	swait.ge [sflag:s6], $0x4000  }
.Ltmp1:
0xbb: {  	[sflag:s6] =	ssyncset.done $0x0;
	(pc) =	sbr.rel @p0 .LBB2_1-.Ltmp1, $4  }
0xbc: {  	[sflag:s6] =	ssyncadd.s32 $0xFFFFC000  }
0xbd: {  	_ =	swait.ge [sflag:s7], $0x4000  }
0xbe: {  	[sflag:s7] =	ssyncset.done $0x0  }
0xbf: {  	[sflag:s7] =	ssyncadd.s32 $0xFFFFC000  }
0xc0: {  	_ =	sfence.sel $0x180000  }
0xc1: {  	[bflag:$0x0] =	sbarrier.arrive $0xFFFF  }
0xc2: {  	_ =	strace $0x90000047  }
0xc3: {  	s0 =	stileid.u32;
	[bflag:$0x2] =	sbarrier.arrive $0xFFFF  }
0xc4: {  	p0 =	sne.s32 s0, $0x0;
	s0 =	rddreg [dreg:$0x3]  }
0xc5: {  	s0 =	sadd.s32 @!p0 $0x100000, s0  }
0xc6: {  	[sflag:s0] =	ssyncadd.tile.s32 @!p0 $0x1;
	_ =	shalt  }
.Lfunc_end2:
_tile_overlayer_lowered:
.L_overlay_start_2:
0xc7: {  	(tag) =	ssettag $0x2  }
0xc8: {  	s0 =	rddreg [dreg:$0x0];
	s2 =	stileid.u32  }
0xc9: {  	s1 =	rddreg [dreg:$0x1];
	p0 =	sne.s32 s2, $0x0  }
0xca: {  	s3 =	rddreg [dreg:$0x2];
	[bflag:$0x3] =	sbarrier.arrive $0xFFFF;
	s2 =	simm.s32 @!p0 $0x1C0B  }
0xcb: {  	[timem:s3], [sflag:s2] =	dma.local @!p0 [hbm:s0], s1  }
0xcc: {  	s0 =	simm.s32 @!p0 $0xB  }
0xcd: {  	_ =	swait.ge @!p0 [sflag:s0], s1  }
0xce: {  	s1 =	ssub.s32 @!p0 $0x0, s1;
	[sflag:s0] =	ssyncset.done @!p0 $0x0  }
0xcf: {  	[sflag:s0] =	ssyncadd.s32 @!p0 s1  }
0xd0: {  	[bflag:$0x3] =	sbarrier.arrive $0xFFFF  }
0xd1: {  	_ =	shalt  }

</sc_bundles>
